<compile_context>
chip_gen: v7x
topology: tpu7x:2x2x1
jax: 0.10.2.dev20260603
libtpu: 0.0.44.dev20260713+nightly
codegen_flags: <defaults>
</compile_context>

<pallas_src>
import functools

import jax
import jax.numpy as jnp
from jax import lax
from jax.experimental import pallas as pl
from jax.experimental.pallas import tpu as pltpu
from jax.experimental.pallas import tpu_sc as plsc

N = 10000
E = 320000
D = 128

NC = 2
NS = 16
NW = NC * NS
EPW = E // NW

NPD = 10240
RPD = NPD // 16

CHB = 128
NCHB = 80
EPWP = NCHB * CHB
G = 8
NG = NCHB // G

NP = 10112
RPT = NP // NS

_mesh = plsc.VectorSubcoreMesh(core_axis_name="c", subcore_axis_name="s")


@functools.partial(
    pl.kernel,
    out_type=jax.ShapeDtypeStruct((NC, 2, NPD), jnp.float32),
    mesh=_mesh,
    scratch_types=[
        pltpu.VMEM((NCHB, CHB), jnp.int32),
        pltpu.VMEM((NCHB, CHB), jnp.int32),
        pltpu.VMEM((CHB,), jnp.float32),
        pltpu.VMEM_SHARED((NPD,), jnp.float32),
        pltpu.VMEM_SHARED((NPD,), jnp.float32),
    ],
)
def _sc_degrees(srcr_hbm, dstr_hbm, ones_hbm, zeros_hbm, degp_hbm,
                sidx, didx, ones_v, dsrc, ddst):
    c = lax.axis_index("c")
    s = lax.axis_index("s")
    wid = s * NC + c
    base = s * RPD
    pltpu.sync_copy(zeros_hbm, dsrc.at[pl.ds(base, RPD)])
    pltpu.sync_copy(zeros_hbm, ddst.at[pl.ds(base, RPD)])
    pltpu.sync_copy(ones_hbm, ones_v)
    pltpu.sync_copy(srcr_hbm.at[wid], sidx)
    pltpu.sync_copy(dstr_hbm.at[wid], didx)
    plsc.subcore_barrier()

    @pl.loop(0, NCHB)
    def _chunk(j):
        pltpu.sync_copy(ones_v, dsrc.at[sidx.at[j]], add=True)
        pltpu.sync_copy(ones_v, ddst.at[didx.at[j]], add=True)

    plsc.subcore_barrier()
    pltpu.sync_copy(dsrc.at[pl.ds(base, RPD)], degp_hbm.at[c, 0, pl.ds(base, RPD)])
    pltpu.sync_copy(ddst.at[pl.ds(base, RPD)], degp_hbm.at[c, 1, pl.ds(base, RPD)])


@functools.partial(
    pl.kernel,
    out_type=jax.ShapeDtypeStruct((NC, NP, D), jnp.float32),
    mesh=_mesh,
    scratch_types=[
        pltpu.VMEM((2, G, CHB), jnp.int32),
        pltpu.VMEM((NCHB, CHB), jnp.int32),
        pltpu.VMEM((2, CHB, D), jnp.float32),
        pltpu.VMEM_SHARED((NP, D), jnp.float32),
        pltpu.SemaphoreType.DMA((2,)),
        pltpu.SemaphoreType.DMA((2,)),
    ],
)
def _sc_spmm(featn_hbm, srcg_hbm, dstr_hbm, zrows_hbm, part_hbm,
             sbuf, didx, rows, accum, gsem, isem):
    c = lax.axis_index("c")
    s = lax.axis_index("s")
    wid = s * NC + c
    base = s * RPT

    def start_idx(g, gb):
        pltpu.async_copy(srcg_hbm.at[wid, g], sbuf.at[gb], isem.at[gb])

    def wait_idx(g, gb):
        pltpu.make_async_copy(srcg_hbm.at[wid, g], sbuf.at[gb],
                              isem.at[gb]).wait()

    def start_gather(gb, k, rb):
        pltpu.async_copy(featn_hbm.at[sbuf.at[gb, k]], rows.at[rb],
                         gsem.at[rb])

    def wait_gather(gb, k, rb):
        pltpu.make_async_copy(featn_hbm.at[sbuf.at[gb, k]], rows.at[rb],
                              gsem.at[rb]).wait()

    pltpu.sync_copy(zrows_hbm, accum.at[pl.ds(base, RPT)])
    pltpu.sync_copy(dstr_hbm.at[wid], didx)
    start_idx(0, 0)
    plsc.subcore_barrier()

    wait_idx(0, 0)
    start_idx(1, 1)
    start_gather(0, 0, 0)

    @pl.loop(0, NCHB)
    def _chunk(t):
        rb = lax.rem(t, 2)
        g = lax.div(t, G)
        k = lax.rem(t, G)
        gb = lax.rem(g, 2)
        tn = t + 1
        gn = lax.div(tn, G)
        kn = lax.rem(tn, G)
        rbn = lax.rem(tn, 2)
        gbn = lax.rem(gn, 2)

        @pl.when(jnp.logical_and(tn < NCHB, kn == 0))
        def _():
            wait_idx(gn, gbn)

            @pl.when(gn + 1 < NG)
            def _():
                start_idx(gn + 1, 1 - gbn)

        @pl.when(tn < NCHB)
        def _():
            start_gather(gbn, kn, rbn)

        wait_gather(gb, k, rb)
        pltpu.sync_copy(rows.at[rb], accum.at[didx.at[t]], add=True)

    plsc.subcore_barrier()
    pltpu.sync_copy(accum.at[pl.ds(base, RPT)], part_hbm.at[c, pl.ds(base, RPT)])


def _tc_scale(feat, deg):
    def body(f_ref, d_ref, o_ref):
        o_ref[...] = f_ref[...] * lax.rsqrt(jnp.maximum(d_ref[...], 1.0))

    blk = 1000
    return pl.pallas_call(
        body,
        grid=(N // blk,),
        in_specs=[
            pl.BlockSpec((blk, D), lambda i: (i, 0)),
            pl.BlockSpec((blk, 1), lambda i: (i, 0)),
        ],
        out_specs=pl.BlockSpec((blk, D), lambda i: (i, 0)),
        out_shape=jax.ShapeDtypeStruct((N, D), jnp.float32),
    )(feat, deg)


def _tc_matmul_scale(parts, weight, deg):
    def body(p_ref, w_ref, d_ref, o_ref):
        ssum = p_ref[0] + p_ref[1]
        r = jnp.dot(ssum, w_ref[...], preferred_element_type=jnp.float32)
        o_ref[...] = r * lax.rsqrt(jnp.maximum(d_ref[...], 1.0))

    blk = 1000
    return pl.pallas_call(
        body,
        grid=(N // blk,),
        in_specs=[
            pl.BlockSpec((NC, blk, D), lambda i: (0, i, 0)),
            pl.BlockSpec((D, D), lambda i: (0, 0)),
            pl.BlockSpec((blk, 1), lambda i: (i, 0)),
        ],
        out_specs=pl.BlockSpec((blk, D), lambda i: (i, 0)),
        out_shape=jax.ShapeDtypeStruct((N, D), jnp.float32),
    )(parts, weight, deg)


def kernel(feat, edge_index, weight):
    src = edge_index[0].astype(jnp.int32)
    dst = edge_index[1].astype(jnp.int32)
    pad = EPWP - EPW
    srcp = jnp.pad(src.reshape(NW, EPW), ((0, 0), (0, pad)),
                   constant_values=0)
    dstp = jnp.pad(dst.reshape(NW, EPW), ((0, 0), (0, pad)),
                   constant_values=NP - 1).reshape(NW, NCHB, CHB)

    ones1 = jnp.ones((CHB,), jnp.float32)
    zeros1 = jnp.zeros((RPD,), jnp.float32)
    degp = _sc_degrees(srcp.reshape(NW, NCHB, CHB), dstp, ones1, zeros1)
    deg_src = (degp[0, 0, :N] + degp[1, 0, :N]).at[0].add(-NW * pad)
    deg_src = deg_src.reshape(N, 1)
    deg_dst = (degp[0, 1, :N] + degp[1, 1, :N]).reshape(N, 1)

    featn = _tc_scale(feat, deg_src)

    srcg = srcp.reshape(NW, NG, G, CHB)
    zrows = jnp.zeros((RPT, D), jnp.float32)
    parts = _sc_spmm(featn, srcg, dstp, zrows)

    return _tc_matmul_scale(parts, weight, deg_dst)

# --- scband reference (transcript-rebuilt; emitter-appended) ---
"""Pipeline reference for scband-graph-conv-25847113187704 (READ-ONLY COPY).

The authoritative reference and input builder live on the scoring server;
editing this copy changes nothing except your own understanding.
"""

import jax, jax.numpy as jnp
import numpy as np

N_NODES = 10000
N_EDGES = 320000
D_IN = 128
D_OUT = 128


def setup_inputs(seed: int = 0) -> dict:
    key = jax.random.key(seed)
    k1, k2, k3 = jax.random.split(key, 3)
    feat = jax.random.normal(k1, (N_NODES, D_IN), dtype=jnp.float32)
    edge_index = jax.random.randint(k2, (2, N_EDGES), 0, N_NODES, dtype=jnp.int64)
    # learned parameter self._weight: [in_feats, out_feats], xavier-uniform style init
    limit = float(np.sqrt(6.0 / (D_IN + D_OUT)))
    weight = jax.random.uniform(k3, (D_IN, D_OUT), dtype=jnp.float32, minval=-limit, maxval=limit)
    return {"feat": feat, "edge_index": edge_index, "weight": weight}


def reference(feat, edge_index, weight):
    # GraphConv with norm='both', in_feats == out_feats so SpMM (copy_u + sum) then matmul.
    src = edge_index[0]
    dst = edge_index[1]
    N = feat.shape[0]
    # left norm: out_degrees ** -0.5 applied to source features
    out_deg = jnp.clip(jnp.bincount(src, length=N).astype(feat.dtype), 1.0, None)
    norm_l = jnp.power(out_deg, -0.5)
    feat_src = feat * norm_l[:, None]
    # SpMM: aggregate messages (copy_u) summed over destination nodes
    msgs = jnp.take(feat_src, src, axis=0)
    rst = jax.ops.segment_sum(msgs, dst, num_segments=N)
    # since in_feats <= out_feats, multiply by weight after aggregation
    rst = jnp.matmul(rst, weight)
    # right norm: in_degrees ** -0.5
    in_deg = jnp.clip(jnp.bincount(dst, length=N).astype(feat.dtype), 1.0, None)
    norm_r = jnp.power(in_deg, -0.5)
    rst = rst * norm_r[:, None]
    return rst

if __name__ == "__main__":
    import jax
    _d = setup_inputs()
    print(jax.jit(kernel)(*tuple(_d.values())))

</pallas_src>

<mosaic_0001>
#map = affine_map<(d0, d1) -> (0, 0, 0)>
#map1 = affine_map<(d0, d1) -> (0)>
module attributes {stable_mosaic.version = 14 : i64} {
  func.func @_sc_degrees(%arg0: i32, %arg1: i32, %arg2: memref<32x80x128xi32, #tpu.memory_space<hbm>>, %arg3: memref<32x80x128xi32, #tpu.memory_space<hbm>>, %arg4: memref<128xf32, #tpu.memory_space<hbm>>, %arg5: memref<640xf32, #tpu.memory_space<hbm>>, %arg6: memref<2x2x10240xf32, #tpu.memory_space<hbm>>, %arg7: memref<80x128xi32, #tpu.memory_space<vmem>>, %arg8: memref<80x128xi32, #tpu.memory_space<vmem>>, %arg9: memref<128xf32, #tpu.memory_space<vmem>>, %arg10: memref<10240xf32, #tpu.memory_space<vmem_shared>>, %arg11: memref<10240xf32, #tpu.memory_space<vmem_shared>>) attributes {dimension_semantics = [#tpu.dimension_semantics<core_parallel>, #tpu.dimension_semantics<subcore_parallel>], iteration_bounds = array<i64: 2, 16>, scalar_prefetch = 0 : i64, scratch_operands = 5 : i64, tpu.core_type = #tpu.core_type<sc_vector_subcore>, window_params = [{transform_indices = #map}, {transform_indices = #map}, {transform_indices = #map1}, {transform_indices = #map1}, {transform_indices = #map}]} {
    %mul3A = arith.constant 2 : i32
    %mul3A_0 = arith.muli %arg1, %mul3A : i32
    %add3A = arith.addi %mul3A_0, %arg0 : i32
    %mul3A_1 = arith.constant 640 : i32
    %mul3A_2 = arith.muli %arg1, %mul3A_1 : i32
    "tpu.region"() ({
      %run_scoped3A_9 = tpu.sem_alloc : memref<!tpu.dma_semaphore, #tpu.memory_space<semaphore_mem>>
      %dma_start3A = tpu.memref_slice %arg10[%mul3A_2] : memref<10240xf32, #tpu.memory_space<vmem_shared>> -> memref<640xf32, #tpu.memory_space<vmem_shared>>
      tpu.enqueue_dma source(%arg5 : memref<640xf32, #tpu.memory_space<hbm>>) target(%dma_start3A : memref<640xf32, #tpu.memory_space<vmem_shared>>) target_semaphore(%run_scoped3A_9 : memref<!tpu.dma_semaphore, #tpu.memory_space<semaphore_mem>>)
      %dma_wait3A = tpu.memref_slice %arg10[%mul3A_2] : memref<10240xf32, #tpu.memory_space<vmem_shared>> -> memref<640xf32, #tpu.memory_space<vmem_shared>>
      tpu.wait_dma2 semaphore(%run_scoped3A_9 : memref<!tpu.dma_semaphore, #tpu.memory_space<semaphore_mem>>) src(%arg5 : memref<640xf32, #tpu.memory_space<hbm>>) dst(%dma_wait3A : memref<640xf32, #tpu.memory_space<vmem_shared>>)
      tpu.yield
    }) : () -> ()
    "tpu.region"() ({
      %run_scoped3A_9 = tpu.sem_alloc : memref<!tpu.dma_semaphore, #tpu.memory_space<semaphore_mem>>
      %dma_start3A = tpu.memref_slice %arg11[%mul3A_2] : memref<10240xf32, #tpu.memory_space<vmem_shared>> -> memref<640xf32, #tpu.memory_space<vmem_shared>>
      tpu.enqueue_dma source(%arg5 : memref<640xf32, #tpu.memory_space<hbm>>) target(%dma_start3A : memref<640xf32, #tpu.memory_space<vmem_shared>>) target_semaphore(%run_scoped3A_9 : memref<!tpu.dma_semaphore, #tpu.memory_space<semaphore_mem>>)
      %dma_wait3A = tpu.memref_slice %arg11[%mul3A_2] : memref<10240xf32, #tpu.memory_space<vmem_shared>> -> memref<640xf32, #tpu.memory_space<vmem_shared>>
      tpu.wait_dma2 semaphore(%run_scoped3A_9 : memref<!tpu.dma_semaphore, #tpu.memory_space<semaphore_mem>>) src(%arg5 : memref<640xf32, #tpu.memory_space<hbm>>) dst(%dma_wait3A : memref<640xf32, #tpu.memory_space<vmem_shared>>)
      tpu.yield
    }) : () -> ()
    "tpu.region"() ({
      %run_scoped3A_9 = tpu.sem_alloc : memref<!tpu.dma_semaphore, #tpu.memory_space<semaphore_mem>>
      tpu.enqueue_dma source(%arg4 : memref<128xf32, #tpu.memory_space<hbm>>) target(%arg9 : memref<128xf32, #tpu.memory_space<vmem>>) target_semaphore(%run_scoped3A_9 : memref<!tpu.dma_semaphore, #tpu.memory_space<semaphore_mem>>)
      tpu.wait_dma2 semaphore(%run_scoped3A_9 : memref<!tpu.dma_semaphore, #tpu.memory_space<semaphore_mem>>) src(%arg4 : memref<128xf32, #tpu.memory_space<hbm>>) dst(%arg9 : memref<128xf32, #tpu.memory_space<vmem>>)
      tpu.yield
    }) : () -> ()
    "tpu.region"() ({
      %run_scoped3A_9 = tpu.sem_alloc : memref<!tpu.dma_semaphore, #tpu.memory_space<semaphore_mem>>
      %dma_start3A = arith.constant 0 : i32
      %dma_start3A_10 = arith.constant 0 : i32
      %dma_start3A_11 = tpu.memref_slice %arg2[%add3A, %dma_start3A, %dma_start3A_10] : memref<32x80x128xi32, #tpu.memory_space<hbm>> -> memref<1x80x128xi32, #tpu.memory_space<hbm>>
      %dma_start3A_12 = tpu.memref_squeeze %dma_start3A_11 : memref<1x80x128xi32, #tpu.memory_space<hbm>> -> memref<80x128xi32, #tpu.memory_space<hbm>>
      %dma_start3A_13 = arith.constant 0 : i32
      %dma_start3A_14 = arith.constant 0 : i32
      %dma_start3A_15 = tpu.memref_slice %arg2[%add3A, %dma_start3A_13, %dma_start3A_14] : memref<32x80x128xi32, #tpu.memory_space<hbm>> -> memref<1x80x128xi32, #tpu.memory_space<hbm>>
      %dma_start3A_16 = tpu.memref_squeeze %dma_start3A_15 : memref<1x80x128xi32, #tpu.memory_space<hbm>> -> memref<80x128xi32, #tpu.memory_space<hbm>>
      tpu.enqueue_dma source(%dma_start3A_16 : memref<80x128xi32, #tpu.memory_space<hbm>>) target(%arg7 : memref<80x128xi32, #tpu.memory_space<vmem>>) target_semaphore(%run_scoped3A_9 : memref<!tpu.dma_semaphore, #tpu.memory_space<semaphore_mem>>)
      %dma_wait3A = arith.constant 0 : i32
      %dma_wait3A_17 = arith.constant 0 : i32
      %dma_wait3A_18 = tpu.memref_slice %arg2[%add3A, %dma_wait3A, %dma_wait3A_17] : memref<32x80x128xi32, #tpu.memory_space<hbm>> -> memref<1x80x128xi32, #tpu.memory_space<hbm>>
      %dma_wait3A_19 = tpu.memref_squeeze %dma_wait3A_18 : memref<1x80x128xi32, #tpu.memory_space<hbm>> -> memref<80x128xi32, #tpu.memory_space<hbm>>
      %dma_wait3A_20 = arith.constant 0 : i32
      %dma_wait3A_21 = arith.constant 0 : i32
      %dma_wait3A_22 = tpu.memref_slice %arg2[%add3A, %dma_wait3A_20, %dma_wait3A_21] : memref<32x80x128xi32, #tpu.memory_space<hbm>> -> memref<1x80x128xi32, #tpu.memory_space<hbm>>
      %dma_wait3A_23 = tpu.memref_squeeze %dma_wait3A_22 : memref<1x80x128xi32, #tpu.memory_space<hbm>> -> memref<80x128xi32, #tpu.memory_space<hbm>>
      tpu.wait_dma2 semaphore(%run_scoped3A_9 : memref<!tpu.dma_semaphore, #tpu.memory_space<semaphore_mem>>) src(%dma_wait3A_23 : memref<80x128xi32, #tpu.memory_space<hbm>>) dst(%arg7 : memref<80x128xi32, #tpu.memory_space<vmem>>)
      tpu.yield
    }) : () -> ()
    "tpu.region"() ({
      %run_scoped3A_9 = tpu.sem_alloc : memref<!tpu.dma_semaphore, #tpu.memory_space<semaphore_mem>>
      %dma_start3A = arith.constant 0 : i32
      %dma_start3A_10 = arith.constant 0 : i32
      %dma_start3A_11 = tpu.memref_slice %arg3[%add3A, %dma_start3A, %dma_start3A_10] : memref<32x80x128xi32, #tpu.memory_space<hbm>> -> memref<1x80x128xi32, #tpu.memory_space<hbm>>
      %dma_start3A_12 = tpu.memref_squeeze %dma_start3A_11 : memref<1x80x128xi32, #tpu.memory_space<hbm>> -> memref<80x128xi32, #tpu.memory_space<hbm>>
      %dma_start3A_13 = arith.constant 0 : i32
      %dma_start3A_14 = arith.constant 0 : i32
      %dma_start3A_15 = tpu.memref_slice %arg3[%add3A, %dma_start3A_13, %dma_start3A_14] : memref<32x80x128xi32, #tpu.memory_space<hbm>> -> memref<1x80x128xi32, #tpu.memory_space<hbm>>
      %dma_start3A_16 = tpu.memref_squeeze %dma_start3A_15 : memref<1x80x128xi32, #tpu.memory_space<hbm>> -> memref<80x128xi32, #tpu.memory_space<hbm>>
      tpu.enqueue_dma source(%dma_start3A_16 : memref<80x128xi32, #tpu.memory_space<hbm>>) target(%arg8 : memref<80x128xi32, #tpu.memory_space<vmem>>) target_semaphore(%run_scoped3A_9 : memref<!tpu.dma_semaphore, #tpu.memory_space<semaphore_mem>>)
      %dma_wait3A = arith.constant 0 : i32
      %dma_wait3A_17 = arith.constant 0 : i32
      %dma_wait3A_18 = tpu.memref_slice %arg3[%add3A, %dma_wait3A, %dma_wait3A_17] : memref<32x80x128xi32, #tpu.memory_space<hbm>> -> memref<1x80x128xi32, #tpu.memory_space<hbm>>
      %dma_wait3A_19 = tpu.memref_squeeze %dma_wait3A_18 : memref<1x80x128xi32, #tpu.memory_space<hbm>> -> memref<80x128xi32, #tpu.memory_space<hbm>>
      %dma_wait3A_20 = arith.constant 0 : i32
      %dma_wait3A_21 = arith.constant 0 : i32
      %dma_wait3A_22 = tpu.memref_slice %arg3[%add3A, %dma_wait3A_20, %dma_wait3A_21] : memref<32x80x128xi32, #tpu.memory_space<hbm>> -> memref<1x80x128xi32, #tpu.memory_space<hbm>>
      %dma_wait3A_23 = tpu.memref_squeeze %dma_wait3A_22 : memref<1x80x128xi32, #tpu.memory_space<hbm>> -> memref<80x128xi32, #tpu.memory_space<hbm>>
      tpu.wait_dma2 semaphore(%run_scoped3A_9 : memref<!tpu.dma_semaphore, #tpu.memory_space<semaphore_mem>>) src(%dma_wait3A_23 : memref<80x128xi32, #tpu.memory_space<hbm>>) dst(%arg8 : memref<80x128xi32, #tpu.memory_space<vmem>>)
      tpu.yield
    }) : () -> ()
    %barrier3A = arith.constant 0 : index
    tpu.barrier barrier_id(%barrier3A)
    %scan3A = arith.constant 0 : i32
    %scan3A_3 = arith.constant 80 : i32
    %scan3A_4 = arith.addi %scan3A, %scan3A_3 : i32
    %scan3A_5 = arith.constant 1 : i32
    scf.for %scan3A_9 = %scan3A to %scan3A_4 step %scan3A_5  : i32 {
      %mul3A_10 = arith.constant 1 : i32
      %mul3A_11 = arith.muli %scan3A_9, %mul3A_10 : i32
      %add3A_12 = arith.constant 0 : i32
      %add3A_13 = arith.addi %add3A_12, %mul3A_11 : i32
      "tpu.region"() ({
        %run_scoped3A_14 = tpu.sem_alloc : memref<!tpu.dma_semaphore, #tpu.memory_space<semaphore_mem>>
        %dma_start3A = arith.constant 0 : i32
        %dma_start3A_15 = tpu.memref_slice %arg7[%add3A_13, %dma_start3A] : memref<80x128xi32, #tpu.memory_space<vmem>> -> memref<1x128xi32, #tpu.memory_space<vmem>>
        %dma_start3A_16 = tpu.memref_squeeze %dma_start3A_15 : memref<1x128xi32, #tpu.memory_space<vmem>> -> memref<128xi32, #tpu.memory_space<vmem>>
        %dma_start3A_17 = arith.constant 0 : i32
        %dma_start3A_18 = tpu.memref_slice %arg10[%dma_start3A_17] : memref<10240xf32, #tpu.memory_space<vmem_shared>> -> memref<10240xf32, #tpu.memory_space<vmem_shared>>
        tpu.enqueue_indirect_dma source(%arg9 : memref<128xf32, #tpu.memory_space<vmem>>) target(%dma_start3A_18 : memref<10240xf32, #tpu.memory_space<vmem_shared>>) offsets(%dma_start3A_16 : memref<128xi32, #tpu.memory_space<vmem>>) semaphore(%run_scoped3A_14 : memref<!tpu.dma_semaphore, #tpu.memory_space<semaphore_mem>>) {add = true}
        %dma_wait3A = arith.constant 0 : i32
        %dma_wait3A_19 = tpu.memref_slice %arg7[%add3A_13, %dma_wait3A] : memref<80x128xi32, #tpu.memory_space<vmem>> -> memref<1x128xi32, #tpu.memory_space<vmem>>
        %dma_wait3A_20 = tpu.memref_squeeze %dma_wait3A_19 : memref<1x128xi32, #tpu.memory_space<vmem>> -> memref<128xi32, #tpu.memory_space<vmem>>
        %dma_wait3A_21 = arith.constant 0 : i32
        %dma_wait3A_22 = tpu.memref_slice %arg10[%dma_wait3A_21] : memref<10240xf32, #tpu.memory_space<vmem_shared>> -> memref<10240xf32, #tpu.memory_space<vmem_shared>>
        tpu.wait_indirect_dma semaphore(%run_scoped3A_14 : memref<!tpu.dma_semaphore, #tpu.memory_space<semaphore_mem>>) src(%arg9 : memref<128xf32, #tpu.memory_space<vmem>>) dst(%dma_wait3A_22 : memref<10240xf32, #tpu.memory_space<vmem_shared>>)
        tpu.yield
      }) : () -> ()
      "tpu.region"() ({
        %run_scoped3A_14 = tpu.sem_alloc : memref<!tpu.dma_semaphore, #tpu.memory_space<semaphore_mem>>
        %dma_start3A = arith.constant 0 : i32
        %dma_start3A_15 = tpu.memref_slice %arg8[%add3A_13, %dma_start3A] : memref<80x128xi32, #tpu.memory_space<vmem>> -> memref<1x128xi32, #tpu.memory_space<vmem>>
        %dma_start3A_16 = tpu.memref_squeeze %dma_start3A_15 : memref<1x128xi32, #tpu.memory_space<vmem>> -> memref<128xi32, #tpu.memory_space<vmem>>
        %dma_start3A_17 = arith.constant 0 : i32
        %dma_start3A_18 = tpu.memref_slice %arg11[%dma_start3A_17] : memref<10240xf32, #tpu.memory_space<vmem_shared>> -> memref<10240xf32, #tpu.memory_space<vmem_shared>>
        tpu.enqueue_indirect_dma source(%arg9 : memref<128xf32, #tpu.memory_space<vmem>>) target(%dma_start3A_18 : memref<10240xf32, #tpu.memory_space<vmem_shared>>) offsets(%dma_start3A_16 : memref<128xi32, #tpu.memory_space<vmem>>) semaphore(%run_scoped3A_14 : memref<!tpu.dma_semaphore, #tpu.memory_space<semaphore_mem>>) {add = true}
        %dma_wait3A = arith.constant 0 : i32
        %dma_wait3A_19 = tpu.memref_slice %arg8[%add3A_13, %dma_wait3A] : memref<80x128xi32, #tpu.memory_space<vmem>> -> memref<1x128xi32, #tpu.memory_space<vmem>>
        %dma_wait3A_20 = tpu.memref_squeeze %dma_wait3A_19 : memref<1x128xi32, #tpu.memory_space<vmem>> -> memref<128xi32, #tpu.memory_space<vmem>>
        %dma_wait3A_21 = arith.constant 0 : i32
        %dma_wait3A_22 = tpu.memref_slice %arg11[%dma_wait3A_21] : memref<10240xf32, #tpu.memory_space<vmem_shared>> -> memref<10240xf32, #tpu.memory_space<vmem_shared>>
        tpu.wait_indirect_dma semaphore(%run_scoped3A_14 : memref<!tpu.dma_semaphore, #tpu.memory_space<semaphore_mem>>) src(%arg9 : memref<128xf32, #tpu.memory_space<vmem>>) dst(%dma_wait3A_22 : memref<10240xf32, #tpu.memory_space<vmem_shared>>)
        tpu.yield
      }) : () -> ()
    }
    %scan3A_6 = arith.constant 80 : i32
    %barrier3A_7 = arith.constant 0 : index
    tpu.barrier barrier_id(%barrier3A_7)
    %run_scoped3A = arith.constant 0 : i32
    "tpu.region"() ({
      %run_scoped3A_9 = tpu.sem_alloc : memref<!tpu.dma_semaphore, #tpu.memory_space<semaphore_mem>>
      %dma_start3A = tpu.memref_slice %arg6[%arg0, %run_scoped3A, %mul3A_2] : memref<2x2x10240xf32, #tpu.memory_space<hbm>> -> memref<1x1x640xf32, #tpu.memory_space<hbm>>
      %dma_start3A_10 = tpu.memref_squeeze %dma_start3A : memref<1x1x640xf32, #tpu.memory_space<hbm>> -> memref<640xf32, #tpu.memory_space<hbm>>
      %dma_start3A_11 = tpu.memref_slice %arg10[%mul3A_2] : memref<10240xf32, #tpu.memory_space<vmem_shared>> -> memref<640xf32, #tpu.memory_space<vmem_shared>>
      tpu.enqueue_dma source(%dma_start3A_11 : memref<640xf32, #tpu.memory_space<vmem_shared>>) target(%dma_start3A_10 : memref<640xf32, #tpu.memory_space<hbm>>) target_semaphore(%run_scoped3A_9 : memref<!tpu.dma_semaphore, #tpu.memory_space<semaphore_mem>>)
      %dma_wait3A = tpu.memref_slice %arg6[%arg0, %run_scoped3A, %mul3A_2] : memref<2x2x10240xf32, #tpu.memory_space<hbm>> -> memref<1x1x640xf32, #tpu.memory_space<hbm>>
      %dma_wait3A_12 = tpu.memref_squeeze %dma_wait3A : memref<1x1x640xf32, #tpu.memory_space<hbm>> -> memref<640xf32, #tpu.memory_space<hbm>>
      %dma_wait3A_13 = tpu.memref_slice %arg10[%mul3A_2] : memref<10240xf32, #tpu.memory_space<vmem_shared>> -> memref<640xf32, #tpu.memory_space<vmem_shared>>
      tpu.wait_dma2 semaphore(%run_scoped3A_9 : memref<!tpu.dma_semaphore, #tpu.memory_space<semaphore_mem>>) src(%dma_wait3A_13 : memref<640xf32, #tpu.memory_space<vmem_shared>>) dst(%dma_wait3A_12 : memref<640xf32, #tpu.memory_space<hbm>>)
      tpu.yield
    }) : () -> ()
    %run_scoped3A_8 = arith.constant 1 : i32
    "tpu.region"() ({
      %run_scoped3A_9 = tpu.sem_alloc : memref<!tpu.dma_semaphore, #tpu.memory_space<semaphore_mem>>
      %dma_start3A = tpu.memref_slice %arg6[%arg0, %run_scoped3A_8, %mul3A_2] : memref<2x2x10240xf32, #tpu.memory_space<hbm>> -> memref<1x1x640xf32, #tpu.memory_space<hbm>>
      %dma_start3A_10 = tpu.memref_squeeze %dma_start3A : memref<1x1x640xf32, #tpu.memory_space<hbm>> -> memref<640xf32, #tpu.memory_space<hbm>>
      %dma_start3A_11 = tpu.memref_slice %arg11[%mul3A_2] : memref<10240xf32, #tpu.memory_space<vmem_shared>> -> memref<640xf32, #tpu.memory_space<vmem_shared>>
      tpu.enqueue_dma source(%dma_start3A_11 : memref<640xf32, #tpu.memory_space<vmem_shared>>) target(%dma_start3A_10 : memref<640xf32, #tpu.memory_space<hbm>>) target_semaphore(%run_scoped3A_9 : memref<!tpu.dma_semaphore, #tpu.memory_space<semaphore_mem>>)
      %dma_wait3A = tpu.memref_slice %arg6[%arg0, %run_scoped3A_8, %mul3A_2] : memref<2x2x10240xf32, #tpu.memory_space<hbm>> -> memref<1x1x640xf32, #tpu.memory_space<hbm>>
      %dma_wait3A_12 = tpu.memref_squeeze %dma_wait3A : memref<1x1x640xf32, #tpu.memory_space<hbm>> -> memref<640xf32, #tpu.memory_space<hbm>>
      %dma_wait3A_13 = tpu.memref_slice %arg11[%mul3A_2] : memref<10240xf32, #tpu.memory_space<vmem_shared>> -> memref<640xf32, #tpu.memory_space<vmem_shared>>
      tpu.wait_dma2 semaphore(%run_scoped3A_9 : memref<!tpu.dma_semaphore, #tpu.memory_space<semaphore_mem>>) src(%dma_wait3A_13 : memref<640xf32, #tpu.memory_space<vmem_shared>>) dst(%dma_wait3A_12 : memref<640xf32, #tpu.memory_space<hbm>>)
      tpu.yield
    }) : () -> ()
    return
  }
}

#map = affine_map<(d0, d1) -> (0, 0)>
#map1 = affine_map<(d0, d1) -> (0, 0, 0, 0)>
#map2 = affine_map<(d0, d1) -> (0, 0, 0)>
module attributes {stable_mosaic.version = 14 : i64} {
  func.func @_sc_spmm(%arg0: i32, %arg1: i32, %arg2: memref<10000x128xf32, #tpu.memory_space<hbm>>, %arg3: memref<32x10x8x128xi32, #tpu.memory_space<hbm>>, %arg4: memref<32x80x128xi32, #tpu.memory_space<hbm>>, %arg5: memref<632x128xf32, #tpu.memory_space<hbm>>, %arg6: memref<2x10112x128xf32, #tpu.memory_space<hbm>>, %arg7: memref<2x8x128xi32, #tpu.memory_space<vmem>>, %arg8: memref<80x128xi32, #tpu.memory_space<vmem>>, %arg9: memref<2x128x128xf32, #tpu.memory_space<vmem>>, %arg10: memref<10112x128xf32, #tpu.memory_space<vmem_shared>>, %arg11: memref<2x!tpu.dma_semaphore, #tpu.memory_space<semaphore_mem>>, %arg12: memref<2x!tpu.dma_semaphore, #tpu.memory_space<semaphore_mem>>) attributes {dimension_semantics = [#tpu.dimension_semantics<core_parallel>, #tpu.dimension_semantics<subcore_parallel>], iteration_bounds = array<i64: 2, 16>, scalar_prefetch = 0 : i64, scratch_operands = 6 : i64, tpu.core_type = #tpu.core_type<sc_vector_subcore>, window_params = [{transform_indices = #map}, {transform_indices = #map1}, {transform_indices = #map2}, {transform_indices = #map}, {transform_indices = #map2}]} {
    %mul3A = arith.constant 2 : i32
    %mul3A_0 = arith.muli %arg1, %mul3A : i32
    %add3A = arith.addi %mul3A_0, %arg0 : i32
    %mul3A_1 = arith.constant 632 : i32
    %mul3A_2 = arith.muli %arg1, %mul3A_1 : i32
    "tpu.region"() ({
      %run_scoped3A = tpu.sem_alloc : memref<!tpu.dma_semaphore, #tpu.memory_space<semaphore_mem>>
      %dma_start3A_85 = arith.constant 0 : i32
      %dma_start3A_86 = tpu.memref_slice %arg10[%mul3A_2, %dma_start3A_85] : memref<10112x128xf32, #tpu.memory_space<vmem_shared>> -> memref<632x128xf32, #tpu.memory_space<vmem_shared>>
      tpu.enqueue_dma source(%arg5 : memref<632x128xf32, #tpu.memory_space<hbm>>) target(%dma_start3A_86 : memref<632x128xf32, #tpu.memory_space<vmem_shared>>) target_semaphore(%run_scoped3A : memref<!tpu.dma_semaphore, #tpu.memory_space<semaphore_mem>>)
      %dma_wait3A_87 = arith.constant 0 : i32
      %dma_wait3A_88 = tpu.memref_slice %arg10[%mul3A_2, %dma_wait3A_87] : memref<10112x128xf32, #tpu.memory_space<vmem_shared>> -> memref<632x128xf32, #tpu.memory_space<vmem_shared>>
      tpu.wait_dma2 semaphore(%run_scoped3A : memref<!tpu.dma_semaphore, #tpu.memory_space<semaphore_mem>>) src(%arg5 : memref<632x128xf32, #tpu.memory_space<hbm>>) dst(%dma_wait3A_88 : memref<632x128xf32, #tpu.memory_space<vmem_shared>>)
      tpu.yield
    }) : () -> ()
    "tpu.region"() ({
      %run_scoped3A = tpu.sem_alloc : memref<!tpu.dma_semaphore, #tpu.memory_space<semaphore_mem>>
      %dma_start3A_85 = arith.constant 0 : i32
      %dma_start3A_86 = arith.constant 0 : i32
      %dma_start3A_87 = tpu.memref_slice %arg4[%add3A, %dma_start3A_85, %dma_start3A_86] : memref<32x80x128xi32, #tpu.memory_space<hbm>> -> memref<1x80x128xi32, #tpu.memory_space<hbm>>
      %dma_start3A_88 = tpu.memref_squeeze %dma_start3A_87 : memref<1x80x128xi32, #tpu.memory_space<hbm>> -> memref<80x128xi32, #tpu.memory_space<hbm>>
      %dma_start3A_89 = arith.constant 0 : i32
      %dma_start3A_90 = arith.constant 0 : i32
      %dma_start3A_91 = tpu.memref_slice %arg4[%add3A, %dma_start3A_89, %dma_start3A_90] : memref<32x80x128xi32, #tpu.memory_space<hbm>> -> memref<1x80x128xi32, #tpu.memory_space<hbm>>
      %dma_start3A_92 = tpu.memref_squeeze %dma_start3A_91 : memref<1x80x128xi32, #tpu.memory_space<hbm>> -> memref<80x128xi32, #tpu.memory_space<hbm>>
      tpu.enqueue_dma source(%dma_start3A_92 : memref<80x128xi32, #tpu.memory_space<hbm>>) target(%arg8 : memref<80x128xi32, #tpu.memory_space<vmem>>) target_semaphore(%run_scoped3A : memref<!tpu.dma_semaphore, #tpu.memory_space<semaphore_mem>>)
      %dma_wait3A_93 = arith.constant 0 : i32
      %dma_wait3A_94 = arith.constant 0 : i32
      %dma_wait3A_95 = tpu.memref_slice %arg4[%add3A, %dma_wait3A_93, %dma_wait3A_94] : memref<32x80x128xi32, #tpu.memory_space<hbm>> -> memref<1x80x128xi32, #tpu.memory_space<hbm>>
      %dma_wait3A_96 = tpu.memref_squeeze %dma_wait3A_95 : memref<1x80x128xi32, #tpu.memory_space<hbm>> -> memref<80x128xi32, #tpu.memory_space<hbm>>
      %dma_wait3A_97 = arith.constant 0 : i32
      %dma_wait3A_98 = arith.constant 0 : i32
      %dma_wait3A_99 = tpu.memref_slice %arg4[%add3A, %dma_wait3A_97, %dma_wait3A_98] : memref<32x80x128xi32, #tpu.memory_space<hbm>> -> memref<1x80x128xi32, #tpu.memory_space<hbm>>
      %dma_wait3A_100 = tpu.memref_squeeze %dma_wait3A_99 : memref<1x80x128xi32, #tpu.memory_space<hbm>> -> memref<80x128xi32, #tpu.memory_space<hbm>>
      tpu.wait_dma2 semaphore(%run_scoped3A : memref<!tpu.dma_semaphore, #tpu.memory_space<semaphore_mem>>) src(%dma_wait3A_100 : memref<80x128xi32, #tpu.memory_space<hbm>>) dst(%arg8 : memref<80x128xi32, #tpu.memory_space<vmem>>)
      tpu.yield
    }) : () -> ()
    %dma_start3A = arith.constant 0 : i32
    %dma_start3A_3 = arith.constant 0 : i32
    %dma_start3A_4 = arith.constant 0 : i32
    %dma_start3A_5 = arith.constant 0 : i32
    %dma_start3A_6 = arith.constant 0 : i32
    %dma_start3A_7 = tpu.memref_slice %arg7[%dma_start3A_3, %dma_start3A_5, %dma_start3A_6] : memref<2x8x128xi32, #tpu.memory_space<vmem>> -> memref<1x8x128xi32, #tpu.memory_space<vmem>>
    %dma_start3A_8 = tpu.memref_squeeze %dma_start3A_7 : memref<1x8x128xi32, #tpu.memory_space<vmem>> -> memref<8x128xi32, #tpu.memory_space<vmem>>
    %dma_start3A_9 = arith.constant 0 : i32
    %dma_start3A_10 = arith.constant 0 : i32
    %dma_start3A_11 = tpu.memref_slice %arg3[%add3A, %dma_start3A, %dma_start3A_9, %dma_start3A_10] : memref<32x10x8x128xi32, #tpu.memory_space<hbm>> -> memref<1x1x8x128xi32, #tpu.memory_space<hbm>>
    %dma_start3A_12 = tpu.memref_squeeze %dma_start3A_11 : memref<1x1x8x128xi32, #tpu.memory_space<hbm>> -> memref<8x128xi32, #tpu.memory_space<hbm>>
    %dma_start3A_13 = tpu.memref_slice %arg12[%dma_start3A_4] : memref<2x!tpu.dma_semaphore, #tpu.memory_space<semaphore_mem>> -> memref<1x!tpu.dma_semaphore, #tpu.memory_space<semaphore_mem>>
    %dma_start3A_14 = tpu.memref_squeeze %dma_start3A_13 : memref<1x!tpu.dma_semaphore, #tpu.memory_space<semaphore_mem>> -> memref<!tpu.dma_semaphore, #tpu.memory_space<semaphore_mem>>
    %dma_start3A_15 = arith.constant 0 : i32
    %dma_start3A_16 = arith.constant 0 : i32
    %dma_start3A_17 = tpu.memref_slice %arg7[%dma_start3A_3, %dma_start3A_15, %dma_start3A_16] : memref<2x8x128xi32, #tpu.memory_space<vmem>> -> memref<1x8x128xi32, #tpu.memory_space<vmem>>
    %dma_start3A_18 = tpu.memref_squeeze %dma_start3A_17 : memref<1x8x128xi32, #tpu.memory_space<vmem>> -> memref<8x128xi32, #tpu.memory_space<vmem>>
    %dma_start3A_19 = arith.constant 0 : i32
    %dma_start3A_20 = arith.constant 0 : i32
    %dma_start3A_21 = tpu.memref_slice %arg3[%add3A, %dma_start3A, %dma_start3A_19, %dma_start3A_20] : memref<32x10x8x128xi32, #tpu.memory_space<hbm>> -> memref<1x1x8x128xi32, #tpu.memory_space<hbm>>
    %dma_start3A_22 = tpu.memref_squeeze %dma_start3A_21 : memref<1x1x8x128xi32, #tpu.memory_space<hbm>> -> memref<8x128xi32, #tpu.memory_space<hbm>>
    tpu.enqueue_dma source(%dma_start3A_22 : memref<8x128xi32, #tpu.memory_space<hbm>>) target(%dma_start3A_18 : memref<8x128xi32, #tpu.memory_space<vmem>>) target_semaphore(%dma_start3A_14 : memref<!tpu.dma_semaphore, #tpu.memory_space<semaphore_mem>>)
    %barrier3A = arith.constant 0 : index
    tpu.barrier barrier_id(%barrier3A)
    %dma_wait3A = arith.constant 0 : i32
    %dma_wait3A_23 = arith.constant 0 : i32
    %dma_wait3A_24 = arith.constant 0 : i32
    %dma_wait3A_25 = arith.constant 0 : i32
    %dma_wait3A_26 = arith.constant 0 : i32
    %dma_wait3A_27 = tpu.memref_slice %arg7[%dma_wait3A_23, %dma_wait3A_25, %dma_wait3A_26] : memref<2x8x128xi32, #tpu.memory_space<vmem>> -> memref<1x8x128xi32, #tpu.memory_space<vmem>>
    %dma_wait3A_28 = tpu.memref_squeeze %dma_wait3A_27 : memref<1x8x128xi32, #tpu.memory_space<vmem>> -> memref<8x128xi32, #tpu.memory_space<vmem>>
    %dma_wait3A_29 = arith.constant 0 : i32
    %dma_wait3A_30 = arith.constant 0 : i32
    %dma_wait3A_31 = tpu.memref_slice %arg3[%add3A, %dma_wait3A, %dma_wait3A_29, %dma_wait3A_30] : memref<32x10x8x128xi32, #tpu.memory_space<hbm>> -> memref<1x1x8x128xi32, #tpu.memory_space<hbm>>
    %dma_wait3A_32 = tpu.memref_squeeze %dma_wait3A_31 : memref<1x1x8x128xi32, #tpu.memory_space<hbm>> -> memref<8x128xi32, #tpu.memory_space<hbm>>
    %dma_wait3A_33 = tpu.memref_slice %arg12[%dma_wait3A_24] : memref<2x!tpu.dma_semaphore, #tpu.memory_space<semaphore_mem>> -> memref<1x!tpu.dma_semaphore, #tpu.memory_space<semaphore_mem>>
    %dma_wait3A_34 = tpu.memref_squeeze %dma_wait3A_33 : memref<1x!tpu.dma_semaphore, #tpu.memory_space<semaphore_mem>> -> memref<!tpu.dma_semaphore, #tpu.memory_space<semaphore_mem>>
    %dma_wait3A_35 = arith.constant 0 : i32
    %dma_wait3A_36 = arith.constant 0 : i32
    %dma_wait3A_37 = tpu.memref_slice %arg7[%dma_wait3A_23, %dma_wait3A_35, %dma_wait3A_36] : memref<2x8x128xi32, #tpu.memory_space<vmem>> -> memref<1x8x128xi32, #tpu.memory_space<vmem>>
    %dma_wait3A_38 = tpu.memref_squeeze %dma_wait3A_37 : memref<1x8x128xi32, #tpu.memory_space<vmem>> -> memref<8x128xi32, #tpu.memory_space<vmem>>
    %dma_wait3A_39 = arith.constant 0 : i32
    %dma_wait3A_40 = arith.constant 0 : i32
    %dma_wait3A_41 = tpu.memref_slice %arg3[%add3A, %dma_wait3A, %dma_wait3A_39, %dma_wait3A_40] : memref<32x10x8x128xi32, #tpu.memory_space<hbm>> -> memref<1x1x8x128xi32, #tpu.memory_space<hbm>>
    %dma_wait3A_42 = tpu.memref_squeeze %dma_wait3A_41 : memref<1x1x8x128xi32, #tpu.memory_space<hbm>> -> memref<8x128xi32, #tpu.memory_space<hbm>>
    tpu.wait_dma2 semaphore(%dma_wait3A_34 : memref<!tpu.dma_semaphore, #tpu.memory_space<semaphore_mem>>) src(%dma_wait3A_42 : memref<8x128xi32, #tpu.memory_space<hbm>>) dst(%dma_wait3A_38 : memref<8x128xi32, #tpu.memory_space<vmem>>)
    %dma_start3A_43 = arith.constant 1 : i32
    %dma_start3A_44 = arith.constant 1 : i32
    %dma_start3A_45 = arith.constant 1 : i32
    %dma_start3A_46 = arith.constant 0 : i32
    %dma_start3A_47 = arith.constant 0 : i32
    %dma_start3A_48 = tpu.memref_slice %arg7[%dma_start3A_44, %dma_start3A_46, %dma_start3A_47] : memref<2x8x128xi32, #tpu.memory_space<vmem>> -> memref<1x8x128xi32, #tpu.memory_space<vmem>>
    %dma_start3A_49 = tpu.memref_squeeze %dma_start3A_48 : memref<1x8x128xi32, #tpu.memory_space<vmem>> -> memref<8x128xi32, #tpu.memory_space<vmem>>
    %dma_start3A_50 = arith.constant 0 : i32
    %dma_start3A_51 = arith.constant 0 : i32
    %dma_start3A_52 = tpu.memref_slice %arg3[%add3A, %dma_start3A_43, %dma_start3A_50, %dma_start3A_51] : memref<32x10x8x128xi32, #tpu.memory_space<hbm>> -> memref<1x1x8x128xi32, #tpu.memory_space<hbm>>
    %dma_start3A_53 = tpu.memref_squeeze %dma_start3A_52 : memref<1x1x8x128xi32, #tpu.memory_space<hbm>> -> memref<8x128xi32, #tpu.memory_space<hbm>>
    %dma_start3A_54 = tpu.memref_slice %arg12[%dma_start3A_45] : memref<2x!tpu.dma_semaphore, #tpu.memory_space<semaphore_mem>> -> memref<1x!tpu.dma_semaphore, #tpu.memory_space<semaphore_mem>>
    %dma_start3A_55 = tpu.memref_squeeze %dma_start3A_54 : memref<1x!tpu.dma_semaphore, #tpu.memory_space<semaphore_mem>> -> memref<!tpu.dma_semaphore, #tpu.memory_space<semaphore_mem>>
    %dma_start3A_56 = arith.constant 0 : i32
    %dma_start3A_57 = arith.constant 0 : i32
    %dma_start3A_58 = tpu.memref_slice %arg7[%dma_start3A_44, %dma_start3A_56, %dma_start3A_57] : memref<2x8x128xi32, #tpu.memory_space<vmem>> -> memref<1x8x128xi32, #tpu.memory_space<vmem>>
    %dma_start3A_59 = tpu.memref_squeeze %dma_start3A_58 : memref<1x8x128xi32, #tpu.memory_space<vmem>> -> memref<8x128xi32, #tpu.memory_space<vmem>>
    %dma_start3A_60 = arith.constant 0 : i32
    %dma_start3A_61 = arith.constant 0 : i32
    %dma_start3A_62 = tpu.memref_slice %arg3[%add3A, %dma_start3A_43, %dma_start3A_60, %dma_start3A_61] : memref<32x10x8x128xi32, #tpu.memory_space<hbm>> -> memref<1x1x8x128xi32, #tpu.memory_space<hbm>>
    %dma_start3A_63 = tpu.memref_squeeze %dma_start3A_62 : memref<1x1x8x128xi32, #tpu.memory_space<hbm>> -> memref<8x128xi32, #tpu.memory_space<hbm>>
    tpu.enqueue_dma source(%dma_start3A_63 : memref<8x128xi32, #tpu.memory_space<hbm>>) target(%dma_start3A_59 : memref<8x128xi32, #tpu.memory_space<vmem>>) target_semaphore(%dma_start3A_55 : memref<!tpu.dma_semaphore, #tpu.memory_space<semaphore_mem>>)
    %dma_start3A_64 = arith.constant 0 : i32
    %dma_start3A_65 = arith.constant 0 : i32
    %dma_start3A_66 = arith.constant 0 : i32
    %dma_start3A_67 = arith.constant 0 : i32
    %dma_start3A_68 = arith.constant 0 : i32
    %dma_start3A_69 = arith.constant 0 : i32
    %dma_start3A_70 = tpu.memref_slice %arg9[%dma_start3A_66, %dma_start3A_68, %dma_start3A_69] : memref<2x128x128xf32, #tpu.memory_space<vmem>> -> memref<1x128x128xf32, #tpu.memory_space<vmem>>
    %dma_start3A_71 = tpu.memref_squeeze %dma_start3A_70 : memref<1x128x128xf32, #tpu.memory_space<vmem>> -> memref<128x128xf32, #tpu.memory_space<vmem>>
    %dma_start3A_72 = arith.constant 0 : i32
    %dma_start3A_73 = tpu.memref_slice %arg7[%dma_start3A_64, %dma_start3A_65, %dma_start3A_72] : memref<2x8x128xi32, #tpu.memory_space<vmem>> -> memref<1x1x128xi32, #tpu.memory_space<vmem>>
    %dma_start3A_74 = tpu.memref_squeeze %dma_start3A_73 : memref<1x1x128xi32, #tpu.memory_space<vmem>> -> memref<128xi32, #tpu.memory_space<vmem>>
    %dma_start3A_75 = arith.constant 0 : i32
    %dma_start3A_76 = arith.constant 0 : i32
    %dma_start3A_77 = tpu.memref_slice %arg2[%dma_start3A_75, %dma_start3A_76] : memref<10000x128xf32, #tpu.memory_space<hbm>> -> memref<10000x128xf32, #tpu.memory_space<hbm>>
    %dma_start3A_78 = tpu.memref_slice %arg11[%dma_start3A_67] : memref<2x!tpu.dma_semaphore, #tpu.memory_space<semaphore_mem>> -> memref<1x!tpu.dma_semaphore, #tpu.memory_space<semaphore_mem>>
    %dma_start3A_79 = tpu.memref_squeeze %dma_start3A_78 : memref<1x!tpu.dma_semaphore, #tpu.memory_space<semaphore_mem>> -> memref<!tpu.dma_semaphore, #tpu.memory_space<semaphore_mem>>
    tpu.enqueue_indirect_dma source(%dma_start3A_77 : memref<10000x128xf32, #tpu.memory_space<hbm>>) target(%dma_start3A_71 : memref<128x128xf32, #tpu.memory_space<vmem>>) offsets(%dma_start3A_74 : memref<128xi32, #tpu.memory_space<vmem>>) semaphore(%dma_start3A_79 : memref<!tpu.dma_semaphore, #tpu.memory_space<semaphore_mem>>)
    %scan3A = arith.constant 0 : i32
    %scan3A_80 = arith.constant 80 : i32
    %scan3A_81 = arith.addi %scan3A, %scan3A_80 : i32
    %scan3A_82 = arith.constant 1 : i32
    scf.for %scan3A_85 = %scan3A to %scan3A_81 step %scan3A_82  : i32 {
      %mul3A_86 = arith.constant 1 : i32
      %mul3A_87 = arith.muli %scan3A_85, %mul3A_86 : i32
      %add3A_88 = arith.constant 0 : i32
      %add3A_89 = arith.addi %add3A_88, %mul3A_87 : i32
      %rem3A = arith.constant 2 : i32
      %rem3A_90 = arith.remsi %add3A_89, %rem3A : i32
      %div3A = arith.constant 8 : i32
      %div3A_91 = arith.divsi %add3A_89, %div3A : i32
      %rem3A_92 = arith.constant 8 : i32
      %rem3A_93 = arith.remsi %add3A_89, %rem3A_92 : i32
      %rem3A_94 = arith.constant 2 : i32
      %rem3A_95 = arith.remsi %div3A_91, %rem3A_94 : i32
      %add3A_96 = arith.constant 1 : i32
      %add3A_97 = arith.addi %add3A_89, %add3A_96 : i32
      %div3A_98 = arith.constant 8 : i32
      %div3A_99 = arith.divsi %add3A_97, %div3A_98 : i32
      %rem3A_100 = arith.constant 8 : i32
      %rem3A_101 = arith.remsi %add3A_97, %rem3A_100 : i32
      %rem3A_102 = arith.constant 2 : i32
      %rem3A_103 = arith.remsi %add3A_97, %rem3A_102 : i32
      %rem3A_104 = arith.constant 2 : i32
      %rem3A_105 = arith.remsi %div3A_99, %rem3A_104 : i32
      %lt3A = arith.constant 80 : i32
      %lt3A_106 = arith.cmpi slt, %add3A_97, %lt3A : i32
      %eq3A = arith.constant 0 : i32
      %eq3A_107 = arith.cmpi eq, %rem3A_101, %eq3A : i32
      %and3A = arith.andi %lt3A_106, %eq3A_107 : i1
      %convert_element_type3A = arith.extui %and3A : i1 to i32
      %cond3A = arith.constant 0 : i32
      %cond3A_108 = arith.cmpi ne, %convert_element_type3A, %cond3A : i32
      scf.if %cond3A_108 {
        %dma_wait3A_126 = arith.constant 0 : i32
        %dma_wait3A_127 = arith.constant 0 : i32
        %dma_wait3A_128 = tpu.memref_slice %arg7[%rem3A_105, %dma_wait3A_126, %dma_wait3A_127] : memref<2x8x128xi32, #tpu.memory_space<vmem>> -> memref<1x8x128xi32, #tpu.memory_space<vmem>>
        %dma_wait3A_129 = tpu.memref_squeeze %dma_wait3A_128 : memref<1x8x128xi32, #tpu.memory_space<vmem>> -> memref<8x128xi32, #tpu.memory_space<vmem>>
        %dma_wait3A_130 = arith.constant 0 : i32
        %dma_wait3A_131 = arith.constant 0 : i32
        %dma_wait3A_132 = tpu.memref_slice %arg3[%add3A, %div3A_99, %dma_wait3A_130, %dma_wait3A_131] : memref<32x10x8x128xi32, #tpu.memory_space<hbm>> -> memref<1x1x8x128xi32, #tpu.memory_space<hbm>>
        %dma_wait3A_133 = tpu.memref_squeeze %dma_wait3A_132 : memref<1x1x8x128xi32, #tpu.memory_space<hbm>> -> memref<8x128xi32, #tpu.memory_space<hbm>>
        %dma_wait3A_134 = tpu.memref_slice %arg12[%rem3A_105] : memref<2x!tpu.dma_semaphore, #tpu.memory_space<semaphore_mem>> -> memref<1x!tpu.dma_semaphore, #tpu.memory_space<semaphore_mem>>
        %dma_wait3A_135 = tpu.memref_squeeze %dma_wait3A_134 : memref<1x!tpu.dma_semaphore, #tpu.memory_space<semaphore_mem>> -> memref<!tpu.dma_semaphore, #tpu.memory_space<semaphore_mem>>
        %dma_wait3A_136 = arith.constant 0 : i32
        %dma_wait3A_137 = arith.constant 0 : i32
        %dma_wait3A_138 = tpu.memref_slice %arg7[%rem3A_105, %dma_wait3A_136, %dma_wait3A_137] : memref<2x8x128xi32, #tpu.memory_space<vmem>> -> memref<1x8x128xi32, #tpu.memory_space<vmem>>
        %dma_wait3A_139 = tpu.memref_squeeze %dma_wait3A_138 : memref<1x8x128xi32, #tpu.memory_space<vmem>> -> memref<8x128xi32, #tpu.memory_space<vmem>>
        %dma_wait3A_140 = arith.constant 0 : i32
        %dma_wait3A_141 = arith.constant 0 : i32
        %dma_wait3A_142 = tpu.memref_slice %arg3[%add3A, %div3A_99, %dma_wait3A_140, %dma_wait3A_141] : memref<32x10x8x128xi32, #tpu.memory_space<hbm>> -> memref<1x1x8x128xi32, #tpu.memory_space<hbm>>
        %dma_wait3A_143 = tpu.memref_squeeze %dma_wait3A_142 : memref<1x1x8x128xi32, #tpu.memory_space<hbm>> -> memref<8x128xi32, #tpu.memory_space<hbm>>
        tpu.wait_dma2 semaphore(%dma_wait3A_135 : memref<!tpu.dma_semaphore, #tpu.memory_space<semaphore_mem>>) src(%dma_wait3A_143 : memref<8x128xi32, #tpu.memory_space<hbm>>) dst(%dma_wait3A_139 : memref<8x128xi32, #tpu.memory_space<vmem>>)
        %add3A_144 = arith.constant 1 : i32
        %add3A_145 = arith.addi %div3A_99, %add3A_144 : i32
        %lt3A_146 = arith.constant 10 : i32
        %lt3A_147 = arith.cmpi slt, %add3A_145, %lt3A_146 : i32
        %convert_element_type3A_148 = arith.extui %lt3A_147 : i1 to i32
        %cond3A_149 = arith.constant 0 : i32
        %cond3A_150 = arith.cmpi ne, %convert_element_type3A_148, %cond3A_149 : i32
        scf.if %cond3A_150 {
          %add3A_151 = arith.constant 1 : i32
          %add3A_152 = arith.addi %div3A_99, %add3A_151 : i32
          %sub3A = arith.constant 1 : i32
          %sub3A_153 = arith.subi %sub3A, %rem3A_105 : i32
          %dma_start3A_154 = arith.constant 0 : i32
          %dma_start3A_155 = arith.constant 0 : i32
          %dma_start3A_156 = tpu.memref_slice %arg7[%sub3A_153, %dma_start3A_154, %dma_start3A_155] : memref<2x8x128xi32, #tpu.memory_space<vmem>> -> memref<1x8x128xi32, #tpu.memory_space<vmem>>
          %dma_start3A_157 = tpu.memref_squeeze %dma_start3A_156 : memref<1x8x128xi32, #tpu.memory_space<vmem>> -> memref<8x128xi32, #tpu.memory_space<vmem>>
          %dma_start3A_158 = arith.constant 0 : i32
          %dma_start3A_159 = arith.constant 0 : i32
          %dma_start3A_160 = tpu.memref_slice %arg3[%add3A, %add3A_152, %dma_start3A_158, %dma_start3A_159] : memref<32x10x8x128xi32, #tpu.memory_space<hbm>> -> memref<1x1x8x128xi32, #tpu.memory_space<hbm>>
          %dma_start3A_161 = tpu.memref_squeeze %dma_start3A_160 : memref<1x1x8x128xi32, #tpu.memory_space<hbm>> -> memref<8x128xi32, #tpu.memory_space<hbm>>
          %dma_start3A_162 = tpu.memref_slice %arg12[%sub3A_153] : memref<2x!tpu.dma_semaphore, #tpu.memory_space<semaphore_mem>> -> memref<1x!tpu.dma_semaphore, #tpu.memory_space<semaphore_mem>>
          %dma_start3A_163 = tpu.memref_squeeze %dma_start3A_162 : memref<1x!tpu.dma_semaphore, #tpu.memory_space<semaphore_mem>> -> memref<!tpu.dma_semaphore, #tpu.memory_space<semaphore_mem>>
          %dma_start3A_164 = arith.constant 0 : i32
          %dma_start3A_165 = arith.constant 0 : i32
          %dma_start3A_166 = tpu.memref_slice %arg7[%sub3A_153, %dma_start3A_164, %dma_start3A_165] : memref<2x8x128xi32, #tpu.memory_space<vmem>> -> memref<1x8x128xi32, #tpu.memory_space<vmem>>
          %dma_start3A_167 = tpu.memref_squeeze %dma_start3A_166 : memref<1x8x128xi32, #tpu.memory_space<vmem>> -> memref<8x128xi32, #tpu.memory_space<vmem>>
          %dma_start3A_168 = arith.constant 0 : i32
          %dma_start3A_169 = arith.constant 0 : i32
          %dma_start3A_170 = tpu.memref_slice %arg3[%add3A, %add3A_152, %dma_start3A_168, %dma_start3A_169] : memref<32x10x8x128xi32, #tpu.memory_space<hbm>> -> memref<1x1x8x128xi32, #tpu.memory_space<hbm>>
          %dma_start3A_171 = tpu.memref_squeeze %dma_start3A_170 : memref<1x1x8x128xi32, #tpu.memory_space<hbm>> -> memref<8x128xi32, #tpu.memory_space<hbm>>
          tpu.enqueue_dma source(%dma_start3A_171 : memref<8x128xi32, #tpu.memory_space<hbm>>) target(%dma_start3A_167 : memref<8x128xi32, #tpu.memory_space<vmem>>) target_semaphore(%dma_start3A_163 : memref<!tpu.dma_semaphore, #tpu.memory_space<semaphore_mem>>)
        } else {
        }
      } else {
      }
      %lt3A_109 = arith.constant 80 : i32
      %lt3A_110 = arith.cmpi slt, %add3A_97, %lt3A_109 : i32
      %convert_element_type3A_111 = arith.extui %lt3A_110 : i1 to i32
      %cond3A_112 = arith.constant 0 : i32
      %cond3A_113 = arith.cmpi ne, %convert_element_type3A_111, %cond3A_112 : i32
      scf.if %cond3A_113 {
        %dma_start3A_126 = arith.constant 0 : i32
        %dma_start3A_127 = arith.constant 0 : i32
        %dma_start3A_128 = tpu.memref_slice %arg9[%rem3A_103, %dma_start3A_126, %dma_start3A_127] : memref<2x128x128xf32, #tpu.memory_space<vmem>> -> memref<1x128x128xf32, #tpu.memory_space<vmem>>
        %dma_start3A_129 = tpu.memref_squeeze %dma_start3A_128 : memref<1x128x128xf32, #tpu.memory_space<vmem>> -> memref<128x128xf32, #tpu.memory_space<vmem>>
        %dma_start3A_130 = arith.constant 0 : i32
        %dma_start3A_131 = tpu.memref_slice %arg7[%rem3A_105, %rem3A_101, %dma_start3A_130] : memref<2x8x128xi32, #tpu.memory_space<vmem>> -> memref<1x1x128xi32, #tpu.memory_space<vmem>>
        %dma_start3A_132 = tpu.memref_squeeze %dma_start3A_131 : memref<1x1x128xi32, #tpu.memory_space<vmem>> -> memref<128xi32, #tpu.memory_space<vmem>>
        %dma_start3A_133 = arith.constant 0 : i32
        %dma_start3A_134 = arith.constant 0 : i32
        %dma_start3A_135 = tpu.memref_slice %arg2[%dma_start3A_133, %dma_start3A_134] : memref<10000x128xf32, #tpu.memory_space<hbm>> -> memref<10000x128xf32, #tpu.memory_space<hbm>>
        %dma_start3A_136 = tpu.memref_slice %arg11[%rem3A_103] : memref<2x!tpu.dma_semaphore, #tpu.memory_space<semaphore_mem>> -> memref<1x!tpu.dma_semaphore, #tpu.memory_space<semaphore_mem>>
        %dma_start3A_137 = tpu.memref_squeeze %dma_start3A_136 : memref<1x!tpu.dma_semaphore, #tpu.memory_space<semaphore_mem>> -> memref<!tpu.dma_semaphore, #tpu.memory_space<semaphore_mem>>
        tpu.enqueue_indirect_dma source(%dma_start3A_135 : memref<10000x128xf32, #tpu.memory_space<hbm>>) target(%dma_start3A_129 : memref<128x128xf32, #tpu.memory_space<vmem>>) offsets(%dma_start3A_132 : memref<128xi32, #tpu.memory_space<vmem>>) semaphore(%dma_start3A_137 : memref<!tpu.dma_semaphore, #tpu.memory_space<semaphore_mem>>)
      } else {
      }
      %dma_wait3A_114 = arith.constant 0 : i32
      %dma_wait3A_115 = arith.constant 0 : i32
      %dma_wait3A_116 = tpu.memref_slice %arg9[%rem3A_90, %dma_wait3A_114, %dma_wait3A_115] : memref<2x128x128xf32, #tpu.memory_space<vmem>> -> memref<1x128x128xf32, #tpu.memory_space<vmem>>
      %dma_wait3A_117 = tpu.memref_squeeze %dma_wait3A_116 : memref<1x128x128xf32, #tpu.memory_space<vmem>> -> memref<128x128xf32, #tpu.memory_space<vmem>>
      %dma_wait3A_118 = arith.constant 0 : i32
      %dma_wait3A_119 = tpu.memref_slice %arg7[%rem3A_95, %rem3A_93, %dma_wait3A_118] : memref<2x8x128xi32, #tpu.memory_space<vmem>> -> memref<1x1x128xi32, #tpu.memory_space<vmem>>
      %dma_wait3A_120 = tpu.memref_squeeze %dma_wait3A_119 : memref<1x1x128xi32, #tpu.memory_space<vmem>> -> memref<128xi32, #tpu.memory_space<vmem>>
      %dma_wait3A_121 = arith.constant 0 : i32
      %dma_wait3A_122 = arith.constant 0 : i32
      %dma_wait3A_123 = tpu.memref_slice %arg2[%dma_wait3A_121, %dma_wait3A_122] : memref<10000x128xf32, #tpu.memory_space<hbm>> -> memref<10000x128xf32, #tpu.memory_space<hbm>>
      %dma_wait3A_124 = tpu.memref_slice %arg11[%rem3A_90] : memref<2x!tpu.dma_semaphore, #tpu.memory_space<semaphore_mem>> -> memref<1x!tpu.dma_semaphore, #tpu.memory_space<semaphore_mem>>
      %dma_wait3A_125 = tpu.memref_squeeze %dma_wait3A_124 : memref<1x!tpu.dma_semaphore, #tpu.memory_space<semaphore_mem>> -> memref<!tpu.dma_semaphore, #tpu.memory_space<semaphore_mem>>
      tpu.wait_indirect_dma semaphore(%dma_wait3A_125 : memref<!tpu.dma_semaphore, #tpu.memory_space<semaphore_mem>>) src(%dma_wait3A_123 : memref<10000x128xf32, #tpu.memory_space<hbm>>) dst(%dma_wait3A_117 : memref<128x128xf32, #tpu.memory_space<vmem>>)
      "tpu.region"() ({
        %run_scoped3A = tpu.sem_alloc : memref<!tpu.dma_semaphore, #tpu.memory_space<semaphore_mem>>
        %dma_start3A_126 = arith.constant 0 : i32
        %dma_start3A_127 = arith.constant 0 : i32
        %dma_start3A_128 = tpu.memref_slice %arg9[%rem3A_90, %dma_start3A_126, %dma_start3A_127] : memref<2x128x128xf32, #tpu.memory_space<vmem>> -> memref<1x128x128xf32, #tpu.memory_space<vmem>>
        %dma_start3A_129 = tpu.memref_squeeze %dma_start3A_128 : memref<1x128x128xf32, #tpu.memory_space<vmem>> -> memref<128x128xf32, #tpu.memory_space<vmem>>
        %dma_start3A_130 = arith.constant 0 : i32
        %dma_start3A_131 = tpu.memref_slice %arg8[%add3A_89, %dma_start3A_130] : memref<80x128xi32, #tpu.memory_space<vmem>> -> memref<1x128xi32, #tpu.memory_space<vmem>>
        %dma_start3A_132 = tpu.memref_squeeze %dma_start3A_131 : memref<1x128xi32, #tpu.memory_space<vmem>> -> memref<128xi32, #tpu.memory_space<vmem>>
        %dma_start3A_133 = arith.constant 0 : i32
        %dma_start3A_134 = arith.constant 0 : i32
        %dma_start3A_135 = tpu.memref_slice %arg10[%dma_start3A_133, %dma_start3A_134] : memref<10112x128xf32, #tpu.memory_space<vmem_shared>> -> memref<10112x128xf32, #tpu.memory_space<vmem_shared>>
        tpu.enqueue_indirect_dma source(%dma_start3A_129 : memref<128x128xf32, #tpu.memory_space<vmem>>) target(%dma_start3A_135 : memref<10112x128xf32, #tpu.memory_space<vmem_shared>>) offsets(%dma_start3A_132 : memref<128xi32, #tpu.memory_space<vmem>>) semaphore(%run_scoped3A : memref<!tpu.dma_semaphore, #tpu.memory_space<semaphore_mem>>) {add = true}
        %dma_wait3A_136 = arith.constant 0 : i32
        %dma_wait3A_137 = arith.constant 0 : i32
        %dma_wait3A_138 = tpu.memref_slice %arg9[%rem3A_90, %dma_wait3A_136, %dma_wait3A_137] : memref<2x128x128xf32, #tpu.memory_space<vmem>> -> memref<1x128x128xf32, #tpu.memory_space<vmem>>
        %dma_wait3A_139 = tpu.memref_squeeze %dma_wait3A_138 : memref<1x128x128xf32, #tpu.memory_space<vmem>> -> memref<128x128xf32, #tpu.memory_space<vmem>>
        %dma_wait3A_140 = arith.constant 0 : i32
        %dma_wait3A_141 = tpu.memref_slice %arg8[%add3A_89, %dma_wait3A_140] : memref<80x128xi32, #tpu.memory_space<vmem>> -> memref<1x128xi32, #tpu.memory_space<vmem>>
        %dma_wait3A_142 = tpu.memref_squeeze %dma_wait3A_141 : memref<1x128xi32, #tpu.memory_space<vmem>> -> memref<128xi32, #tpu.memory_space<vmem>>
        %dma_wait3A_143 = arith.constant 0 : i32
        %dma_wait3A_144 = arith.constant 0 : i32
        %dma_wait3A_145 = tpu.memref_slice %arg10[%dma_wait3A_143, %dma_wait3A_144] : memref<10112x128xf32, #tpu.memory_space<vmem_shared>> -> memref<10112x128xf32, #tpu.memory_space<vmem_shared>>
        tpu.wait_indirect_dma semaphore(%run_scoped3A : memref<!tpu.dma_semaphore, #tpu.memory_space<semaphore_mem>>) src(%dma_wait3A_139 : memref<128x128xf32, #tpu.memory_space<vmem>>) dst(%dma_wait3A_145 : memref<10112x128xf32, #tpu.memory_space<vmem_shared>>)
        tpu.yield
      }) : () -> ()
    }
    %scan3A_83 = arith.constant 80 : i32
    %barrier3A_84 = arith.constant 0 : index
    tpu.barrier barrier_id(%barrier3A_84)
    "tpu.region"() ({
      %run_scoped3A = tpu.sem_alloc : memref<!tpu.dma_semaphore, #tpu.memory_space<semaphore_mem>>
      %dma_start3A_85 = arith.constant 0 : i32
      %dma_start3A_86 = tpu.memref_slice %arg6[%arg0, %mul3A_2, %dma_start3A_85] : memref<2x10112x128xf32, #tpu.memory_space<hbm>> -> memref<1x632x128xf32, #tpu.memory_space<hbm>>
      %dma_start3A_87 = tpu.memref_squeeze %dma_start3A_86 : memref<1x632x128xf32, #tpu.memory_space<hbm>> -> memref<632x128xf32, #tpu.memory_space<hbm>>
      %dma_start3A_88 = arith.constant 0 : i32
      %dma_start3A_89 = tpu.memref_slice %arg10[%mul3A_2, %dma_start3A_88] : memref<10112x128xf32, #tpu.memory_space<vmem_shared>> -> memref<632x128xf32, #tpu.memory_space<vmem_shared>>
      tpu.enqueue_dma source(%dma_start3A_89 : memref<632x128xf32, #tpu.memory_space<vmem_shared>>) target(%dma_start3A_87 : memref<632x128xf32, #tpu.memory_space<hbm>>) target_semaphore(%run_scoped3A : memref<!tpu.dma_semaphore, #tpu.memory_space<semaphore_mem>>)
      %dma_wait3A_90 = arith.constant 0 : i32
      %dma_wait3A_91 = tpu.memref_slice %arg6[%arg0, %mul3A_2, %dma_wait3A_90] : memref<2x10112x128xf32, #tpu.memory_space<hbm>> -> memref<1x632x128xf32, #tpu.memory_space<hbm>>
      %dma_wait3A_92 = tpu.memref_squeeze %dma_wait3A_91 : memref<1x632x128xf32, #tpu.memory_space<hbm>> -> memref<632x128xf32, #tpu.memory_space<hbm>>
      %dma_wait3A_93 = arith.constant 0 : i32
      %dma_wait3A_94 = tpu.memref_slice %arg10[%mul3A_2, %dma_wait3A_93] : memref<10112x128xf32, #tpu.memory_space<vmem_shared>> -> memref<632x128xf32, #tpu.memory_space<vmem_shared>>
      tpu.wait_dma2 semaphore(%run_scoped3A : memref<!tpu.dma_semaphore, #tpu.memory_space<semaphore_mem>>) src(%dma_wait3A_94 : memref<632x128xf32, #tpu.memory_space<vmem_shared>>) dst(%dma_wait3A_92 : memref<632x128xf32, #tpu.memory_space<hbm>>)
      tpu.yield
    }) : () -> ()
    return
  }
}

module attributes {stable_mosaic.version = 14 : i64} {
  func.func @body(%arg0: i32, %arg1: memref<2x1000x128xf32, #tpu.memory_space<vmem>>, %arg2: memref<128x128xf32, #tpu.memory_space<vmem>>, %arg3: memref<1000x1xf32, #tpu.memory_space<vmem>>, %arg4: memref<1000x128xf32, #tpu.memory_space<vmem>>) attributes {dimension_semantics = [#tpu.dimension_semantics<arbitrary>], iteration_bounds = array<i64: 10>, scalar_prefetch = 0 : i64, scratch_operands = 0 : i64, tpu.core_type = #tpu.core_type<tc>, window_params = [{transform_indices = @transform_0, window_bounds = array<i64: 2, 1000, 128>}, {pipeline_mode = #tpu.pipeline_mode<synchronous>, transform_indices = @transform_1, window_bounds = array<i64: 128, 128>}, {transform_indices = @transform_2, window_bounds = array<i64: 1000, 1>}, {transform_indices = @transform_3, window_bounds = array<i64: 1000, 128>}]} {
    %get3A = arith.constant 0 : index
    %get3A_0 = arith.constant 0 : index
    %get3A_1 = arith.constant 0 : index
    %get3A_2 = vector.load %arg1[%get3A, %get3A_0, %get3A_1] : memref<2x1000x128xf32, #tpu.memory_space<vmem>>, vector<1x1000x128xf32>
    %get3A_3 = vector.shape_cast %get3A_2 : vector<1x1000x128xf32> to vector<1000x128xf32>
    %get3A_4 = arith.constant 1 : index
    %get3A_5 = arith.constant 0 : index
    %get3A_6 = arith.constant 0 : index
    %get3A_7 = vector.load %arg1[%get3A_4, %get3A_5, %get3A_6] : memref<2x1000x128xf32, #tpu.memory_space<vmem>>, vector<1x1000x128xf32>
    %get3A_8 = vector.shape_cast %get3A_7 : vector<1x1000x128xf32> to vector<1000x128xf32>
    %add3A = arith.addf %get3A_3, %get3A_8 : vector<1000x128xf32>
    %get3A_9 = arith.constant 0 : index
    %get3A_10 = arith.constant 0 : index
    %get3A_11 = vector.load %arg2[%get3A_9, %get3A_10] : memref<128x128xf32, #tpu.memory_space<vmem>>, vector<128x128xf32>
    %dot_general3A = arith.constant dense<0.000000e+00> : vector<1000x128xf32>
    %dot_general3A_12 = tpu.matmul %add3A, %get3A_11, %dot_general3A {dimension_numbers = #tpu.dot_dimension_numbers<[1], [0], [0], [1], [0, 0, 1, 1], [], []>, transpose_lhs_hint = false} : vector<1000x128xf32>, vector<128x128xf32>, vector<1000x128xf32> -> vector<1000x128xf32>
    %get3A_13 = arith.constant 0 : index
    %get3A_14 = arith.constant 0 : index
    %get3A_15 = vector.load %arg3[%get3A_13, %get3A_14] : memref<1000x1xf32, #tpu.memory_space<vmem>>, vector<1000x1xf32>
    %max3A = arith.constant 1.000000e+00 : f32
    %max3A_16 = vector.broadcast %max3A : f32 to vector<1000x1xf32>
    %max3A_17 = arith.maximumf %get3A_15, %max3A_16 : vector<1000x1xf32>
    %rsqrt3A = math.rsqrt %max3A_17 : vector<1000x1xf32>
    %mul3A = vector.broadcast %rsqrt3A : vector<1000x1xf32> to vector<1000x128xf32>
    %mul3A_18 = arith.mulf %dot_general3A_12, %mul3A : vector<1000x128xf32>
    %swap3A = arith.constant 0 : index
    %swap3A_19 = arith.constant 0 : index
    %swap3A_20 = vector.load %arg4[%swap3A, %swap3A_19] : memref<1000x128xf32, #tpu.memory_space<vmem>>, vector<1000x128xf32>
    tpu.vector_store %arg4[%swap3A, %swap3A_19], %mul3A_18 {strides = array<i32>} : memref<1000x128xf32, #tpu.memory_space<vmem>>, vector<1000x128xf32>,
    return
  }
  func.func @transform_0(%arg0: i32) -> (i32, i32, i32) {
    %c0_i32 = arith.constant 0 : i32
    %c0_i32_0 = arith.constant 0 : i32
    %c0_i32_1 = arith.constant 0 : i32
    return %c0_i32, %arg0, %c0_i32_0 : i32, i32, i32
  }
  func.func @transform_1(%arg0: i32) -> (i32, i32) {
    %c0_i32 = arith.constant 0 : i32
    %c0_i32_0 = arith.constant 0 : i32
    %c0_i32_1 = arith.constant 0 : i32
    return %c0_i32, %c0_i32_0 : i32, i32
  }
  func.func @transform_2(%arg0: i32) -> (i32, i32) {
    %c0_i32 = arith.constant 0 : i32
    %c0_i32_0 = arith.constant 0 : i32
    return %arg0, %c0_i32 : i32, i32
  }
  func.func @transform_3(%arg0: i32) -> (i32, i32) {
    %c0_i32 = arith.constant 0 : i32
    %c0_i32_0 = arith.constant 0 : i32
    return %arg0, %c0_i32 : i32, i32
  }
}

module attributes {stable_mosaic.version = 14 : i64} {
  func.func @body(%arg0: i32, %arg1: memref<1000x128xf32, #tpu.memory_space<vmem>>, %arg2: memref<1000x1xf32, #tpu.memory_space<vmem>>, %arg3: memref<1000x128xf32, #tpu.memory_space<vmem>>) attributes {dimension_semantics = [#tpu.dimension_semantics<arbitrary>], iteration_bounds = array<i64: 10>, scalar_prefetch = 0 : i64, scratch_operands = 0 : i64, tpu.core_type = #tpu.core_type<tc>, window_params = [{transform_indices = @transform_0, window_bounds = array<i64: 1000, 128>}, {transform_indices = @transform_1, window_bounds = array<i64: 1000, 1>}, {transform_indices = @transform_2, window_bounds = array<i64: 1000, 128>}]} {
    %get3A = arith.constant 0 : index
    %get3A_0 = arith.constant 0 : index
    %get3A_1 = vector.load %arg1[%get3A, %get3A_0] : memref<1000x128xf32, #tpu.memory_space<vmem>>, vector<1000x128xf32>
    %get3A_2 = arith.constant 0 : index
    %get3A_3 = arith.constant 0 : index
    %get3A_4 = vector.load %arg2[%get3A_2, %get3A_3] : memref<1000x1xf32, #tpu.memory_space<vmem>>, vector<1000x1xf32>
    %max3A = arith.constant 1.000000e+00 : f32
    %max3A_5 = vector.broadcast %max3A : f32 to vector<1000x1xf32>
    %max3A_6 = arith.maximumf %get3A_4, %max3A_5 : vector<1000x1xf32>
    %rsqrt3A = math.rsqrt %max3A_6 : vector<1000x1xf32>
    %mul3A = vector.broadcast %rsqrt3A : vector<1000x1xf32> to vector<1000x128xf32>
    %mul3A_7 = arith.mulf %get3A_1, %mul3A : vector<1000x128xf32>
    %swap3A = arith.constant 0 : index
    %swap3A_8 = arith.constant 0 : index
    %swap3A_9 = vector.load %arg3[%swap3A, %swap3A_8] : memref<1000x128xf32, #tpu.memory_space<vmem>>, vector<1000x128xf32>
    tpu.vector_store %arg3[%swap3A, %swap3A_8], %mul3A_7 {strides = array<i32>} : memref<1000x128xf32, #tpu.memory_space<vmem>>, vector<1000x128xf32>,
    return
  }
  func.func @transform_0(%arg0: i32) -> (i32, i32) {
    %c0_i32 = arith.constant 0 : i32
    %c0_i32_0 = arith.constant 0 : i32
    return %arg0, %c0_i32 : i32, i32
  }
  func.func @transform_1(%arg0: i32) -> (i32, i32) {
    %c0_i32 = arith.constant 0 : i32
    %c0_i32_0 = arith.constant 0 : i32
    return %arg0, %c0_i32 : i32, i32
  }
  func.func @transform_2(%arg0: i32) -> (i32, i32) {
    %c0_i32 = arith.constant 0 : i32
    %c0_i32_0 = arith.constant 0 : i32
    return %arg0, %c0_i32 : i32, i32
  }
}

</mosaic_0001>

<sc_bundles>
// kernel: kernel.6.cloned.1.call-start
scs
__scs_entry_jumppad:
0x0: {  	(pc) =	sbr.rel $0x88, $3  }
0x1: {  	(tag) =	ssettag $0x0;
	lr =	simm.s32 $0x1  }
0x2: {  	[smem:$0x3F9E] =	sst lr;
	_ =	strace $0xD0000000  }
0x3: {  	_ = 	snop  }
0x4: {  	_ = 	snop  }
0x5: {  	_ = 	snop  }
0x6: {  	_ = 	snop  }
0x7: {  	_ = 	snop  }
__scs_overlays_trampoline_lowered:
0x8: {  	[smem:$0x3FAD] =	sst s0  }
0x9: {  	[smem:$0x3FAE] =	sst s1  }
0xa: {  	[smem:$0x3FAF] =	sst s2  }
0xb: {  	[smem:$0x3FB0] =	sst s3  }
0xc: {  	[smem:$0x3FB1] =	sst s4  }
0xd: {  	[smem:$0x3FB2] =	sst s5  }
0xe: {  	[smem:$0x3FB3] =	sst s6  }
0xf: {  	[smem:$0x3FB4] =	sst s7  }
0x10: {  	[smem:$0x3FB5] =	sst s8  }
0x11: {  	[smem:$0x3FB6] =	sst s9;
	s0 =	simm.s32 @!p0 $0x0  }
0x12: {  	s1 =	sld [smem:$0x3F9C];
	s0 =	simm.s32 @p0 $0x1  }
0x13: {  	[smem:$0x3FB7] =	sst s0;
	s0 =	simm.s32 @!p1 $0x0  }
0x14: {  	s2 =	sld [smem:$0x3F9B];
	s0 =	simm.s32 @p1 $0x1  }
0x15: {  	[smem:$0x3FB8] =	sst s0;
	s0 =	simm.s32 @!p2 $0x0  }
0x16: {  	s3 =	sld [smem:$0x3FDB];
	s0 =	simm.s32 @p2 $0x1  }
0x17: {  	s4 =	simm.s32 $0x1BF5;
	[smem:$0x3FBA] =	sst s0  }
0x18: {  	s0 =	sld [smem:$0x3F9D];
	_ =	swait.ge [sflag:s4], $0x0  }
0x19: {  	s7 =	sld [smem:$0x3F9E]  }
0x1a: {  	s8 =	sadd.s32 $0xFFFFE003, lr  }
0x1b: {  	s9 =	sadd.s32 $0xFFFFFEF7, lr;
	s5 =	simm.s32 $0xFFFFFFFF;
	p2 =	slt.u32 s8, $0xFFFFF086  }
0x1c: {  	p1 =	slt.u32 s9, $0xF7A;
	s5 =	simm.s32 @!p2 $0x0  }
0x1d: {  	s5 =	simm.s32 @p1 $0x1;
	p0 =	seq.s32 s7, s2  }
0x1e: {  	s7 =	smul.u32 @!p0 $0xF7A, s2;
	p2 =	seq.s32 @!p0 s5, $0x0  }
0x1f: {  	s9 =	smul.u32 $0xF7A, s1;
	s8 =	simm.s32 @!p0 $0x1BF5;
	p2 =	por !p2, p0  }
0x20: {  	[sflag:s8] =	ssyncset.s32 @!p0 $0xFFFFF086;
	s6 =	sadd.s32 @!p0 s3, s7;
	s7 =	simm.s32 @!p0 $0x108  }
0x21: {  	s3 =	sadd.s32 s3, s9;
	s6 =	sadd.s32 @!p0 $0x88, s6;
	s7 =	simm.s32 @p2 $0x1082  }
0x22: {  	[simem:s7], [sflag:s8] =	dma.local @!p0 [hbm:s6], $0xF7A  }
0x23: {  	s9 =	sor.u32 $0xD0000000, s2;
	s6 =	simm.s32 $0x108;
	_ =	swait.ge @!p0 [sflag:s8], $0x0  }
0x24: {  	s3 =	sadd.s32 $0x88, s3;
	s6 =	simm.s32 @!p1 $0x1082;
	[sflag:s4] =	ssyncset.s32 $0xFFFFF086  }
0x25: {  	[simem:s6], [sflag:s4] =	dma.local [hbm:s3], $0xF7A  }
0x26: {  	[smem:$0x3F9E] =	sst s1;
	(tag) =	ssettag s2;
	_ =	strace s9  }
0x27: {  	s1 =	sld [smem:$0x3FAE]  }
0x28: {  	s2 =	sld [smem:$0x3FAF]  }
0x29: {  	s4 =	sld [smem:$0x3FB1]  }
0x2a: {  	p0 =	seq.s32 s5, $0x0;
	s5 =	sld [smem:$0x3FB2]  }
0x2b: {  	s6 =	sld [smem:$0x3FB3]  }
0x2c: {  	s7 =	sld [smem:$0x3FB4]  }
0x2d: {  	s3 =	simm.s32 $0x108;
	s8 =	sld [smem:$0x3FB5]  }
0x2e: {  	s3 =	simm.s32 @!p0 $0x1082;
	s9 =	sld [smem:$0x3FB6]  }
0x2f: {  	lr =	sadd.s32 s0, s3;
	s0 =	sld [smem:$0x3FAD]  }
0x30: {  	s3 =	sld [smem:$0x3FB0]  }
0x31: {  	[smem:$0x3FB9] =	sst s10  }
0x32: {  	s10 =	sld [smem:$0x3FB7];
	_ =	sdelay $0x3  }
0x33: {  	p0 =	seq.s32 s10, $0x1;
	s10 =	sld [smem:$0x3FB9];
	_ =	sdelay $0x3  }
0x34: {  	[smem:$0x3FB9] =	sst s10  }
0x35: {  	s10 =	sld [smem:$0x3FB8];
	_ =	sdelay $0x3  }
0x36: {  	p1 =	seq.s32 s10, $0x1;
	s10 =	sld [smem:$0x3FB9];
	_ =	sdelay $0x3  }
0x37: {  	[smem:$0x3FB9] =	sst s10  }
0x38: {  	s10 =	sld [smem:$0x3FBA]  }
0x39: {  	_ = 	snop;
	(pc) =	sbr.ind lr, $3  }
0x3a: {  	_ = 	snop  }
0x3b: {  	_ = 	snop  }
0x3c: {  	p2 =	seq.s32 s10, $0x1;
	s10 =	sld [smem:$0x3FB9]  }
0x3d: {  	_ =	shalt  }
0x3e: {  	_ =	shalt  }
0x3f: {  	_ =	shalt  }
0x40: {  	_ =	shalt  }
0x41: {  	_ =	shalt  }
0x42: {  	_ =	shalt  }
0x43: {  	_ =	shalt  }
0x44: {  	_ =	shalt  }
0x45: {  	_ =	shalt  }
0x46: {  	_ =	shalt  }
0x47: {  	_ =	shalt  }
0x48: {  	_ =	shalt  }
0x49: {  	_ =	shalt  }
0x4a: {  	_ =	shalt  }
0x4b: {  	_ =	shalt  }
0x4c: {  	_ =	shalt  }
0x4d: {  	_ =	shalt  }
0x4e: {  	_ =	shalt  }
0x4f: {  	_ =	shalt  }
0x50: {  	_ =	shalt  }
0x51: {  	_ =	shalt  }
0x52: {  	_ =	shalt  }
0x53: {  	_ =	shalt  }
0x54: {  	_ =	shalt  }
0x55: {  	_ =	shalt  }
0x56: {  	_ =	shalt  }
0x57: {  	_ =	shalt  }
0x58: {  	_ =	shalt  }
0x59: {  	_ =	shalt  }
0x5a: {  	_ =	shalt  }
0x5b: {  	_ =	shalt  }
0x5c: {  	_ =	shalt  }
0x5d: {  	_ =	shalt  }
0x5e: {  	_ =	shalt  }
0x5f: {  	_ =	shalt  }
0x60: {  	_ =	shalt  }
0x61: {  	_ =	shalt  }
0x62: {  	_ =	shalt  }
0x63: {  	_ =	shalt  }
0x64: {  	_ =	shalt  }
0x65: {  	_ =	shalt  }
0x66: {  	_ =	shalt  }
0x67: {  	_ =	shalt  }
0x68: {  	_ =	shalt  }
0x69: {  	_ =	shalt  }
0x6a: {  	_ =	shalt  }
0x6b: {  	_ =	shalt  }
0x6c: {  	_ =	shalt  }
0x6d: {  	_ =	shalt  }
0x6e: {  	_ =	shalt  }
0x6f: {  	_ =	shalt  }
0x70: {  	_ =	shalt  }
0x71: {  	_ =	shalt  }
0x72: {  	_ =	shalt  }
0x73: {  	_ =	shalt  }
0x74: {  	_ =	shalt  }
0x75: {  	_ =	shalt  }
0x76: {  	_ =	shalt  }
0x77: {  	_ =	shalt  }
0x78: {  	_ =	shalt  }
0x79: {  	_ =	shalt  }
0x7a: {  	_ =	shalt  }
0x7b: {  	_ =	shalt  }
0x7c: {  	_ =	shalt  }
0x7d: {  	_ =	shalt  }
0x7e: {  	_ =	shalt  }
0x7f: {  	_ =	shalt  }
0x80: {  	_ =	shalt  }
0x81: {  	_ =	shalt  }
0x82: {  	_ =	shalt  }
0x83: {  	_ =	shalt  }
0x84: {  	_ =	shalt  }
0x85: {  	_ =	shalt  }
0x86: {  	_ =	shalt  }
0x87: {  	_ =	shalt  }
.Lfunc_end0:
.L_simem_size_0:
called_computation_lowered:
.L_overlay_start_0:
0x88: {  	s2 =	sld [smem:$0x3FD9]  }
0x89: {  	s3 =	sld [smem:$0x3FFE];
	_ =	sdelay $0x1  }
0x8a: {  	s1 =	srdreg.scid  }
0x8b: {  	s0 =	sand.u32 $0x1, s1  }
0x8c: {  	s17 =	sshll.u32 s0, $0xA;
	s2 =	sadd.s32 s3, s2  }
0x8d: {  	s2 =	sadd.s32 s2, s17  }
0x8e: {  	[smem:$0x3FC5] =	sst s2  }
0x8f: {  	_ = 	snop  }
0x90: {  	s2 =	sld [smem:$0x3FD0];
	(tm) =	ssettm $0x1  }
0x91: {  	s18 =	sld [smem:$0x3FFB];
	_ =	sdelay $0x3  }
0x92: {  	_ =	strace s18  }
0x93: {  	s3 =	sld [smem:$0x3FFC];
	_ =	sdelay $0x3  }
0x94: {  	_ =	strace s3  }
0x95: {  	s3 =	sld [smem:$0x3FFD];
	_ =	sdelay $0x3  }
0x96: {  	_ =	strace s3  }
0x97: {  	_ =	strace $0x8FFFFFFF  }
0x98: {  	s19 =	sld [smem:$0x3FDB];
	_ =	sdelay $0x1  }
0x99: {  	s4 =	simm.s32 $_scs_section_size  }
0x9a: {  	s5 =	simm.s32 $_size__tile_overlayer_lowered;
	s6 =	simm.s32 $_tile_overlayer_lowered  }
0x9b: {  	s22 =	simm.s32 $0x1BFF;
	s21 =	sshll.u32 s6, $0x1;
	s3 =	sadd.s32 s4, s19  }
0x9c: {  	s7 =	simm.s32 $0x0;
	s20 =	sshll.u32 s5, $0x1;
	s5 =	sadd.s32 s21, s3  }
0x9d: {  	[timem:s7], [sflag:s22] =	dma.local [hbm:s5], s20  }
0x9e: {  	_ =	swait.ge [sflag:s22], s20  }
0x9f: {  	s4 =	ssub.s32 $0x0, s20;
	[sflag:s22] =	ssyncset.done $0x0  }
0xa0: {  	[sflag:s22] =	ssyncadd.s32 s4;
	_ =	sdelay $0x1  }
0xa1: {  	s23 =	simm.s32 $0x1B8B  }
0xa2: {  	_ =	swait.ge [sflag:s23], $0x1  }
0xa3: {  	[sflag:s23] =	ssyncset.done $0x0  }
0xa4: {  	s25 =	simm.s32 $0x1B8E;
	s24 =	sld [smem:$0x3FFE];
	[sflag:s23] =	ssyncadd.s32 $0xFFFFFFFF  }
0xa5: {  	s26 =	simm.s32 $execute0_lowered;
	[smem:$0x3FD2] =	sst s25  }
0xa6: {  	s5 =	sshll.u32 s26, $0x1;
	_ =	strace $0x80000046;
	[dreg:$0x1] =	wrdreg $0xFFFFFFFF  }
0xa7: {  	s28 =	simm.s32 $_size_execute0_lowered;
	s3 =	sadd.s32 s3, s5;
	[dreg:$0x0] =	wrdreg $0x0  }
0xa8: {  	s5 =	sshll.u32 s28, $0x1;
	[dreg:$0x2] =	wrdreg s3  }
0xa9: {  	[dreg:$0x3] =	wrdreg s5  }
0xaa: {  	[dreg:$0x4] =	wrdreg $0xC0  }
0xab: {  	_ =	task [dreg:s7], $0x5FFFF  }
0xac: {  	[dreg:$0x1] =	wrdreg $0xFFFFFFFF  }
0xad: {  	[dreg:$0x0] =	wrdreg $0x60  }
0xae: {  	[dreg:$0x2] =	wrdreg s24  }
0xaf: {  	[dreg:$0x3] =	wrdreg s2  }
0xb0: {  	[dreg:$0x4] =	wrdreg $0x50800  }
0xb1: {  	[dreg:$0x5] =	wrdreg $0x53000  }
0xb2: {  	[dreg:$0x6] =	wrdreg $0x9  }
0xb3: {  	_ =	task.clear_ibuf [dreg:s7], $0x7FFFF;
	_ =	strace $0x90000046  }
0xb4: {  	s29 =	simm.s32 $0x9;
	_ =	strace $0x80000048  }
0xb5: {  	_ =	swait.ge [sflag:s29], $0x1  }
0xb6: {  	[sflag:s29] =	ssyncadd.s32 $0xFFFFFFFF  }
0xb7: {  	_ =	strace $0x90000048  }
0xb8: {  	_ =	sfence  }
0xb9: {  	s30 =	sld [smem:$0x0];
	_ =	sdelay $0x2  }
0xba: {  	s31 =	sshll.u32 s1, $0xD;
	s1 =	sshrl.u32 s1, $0x2  }
0xbb: {  	s3 =	sand.u32 $0x4000, s31;
	s1 =	sadd.s32 s1, s30  }
0xbc: {  	s0 =	sor.u32 s3, s0;
	s1 =	sshll.u32 s1, $0x11  }
0xbd: {  	s0 =	sor.u32 s1, s0  }
0xbe: {  	s0 =	sadd.s32 $0x8F2B, s0  }
0xbf: {  	[sflag:s0] =	ssyncadd.remote.s32 $0x1  }
0xc0: {  	_ =	sfence.sel $0xFFFF  }
0xc1: {  	[dreg:$0x0] =	wrdreg $0xFFFFFFFF;
	(pc) =	sbr.abs _section_cstart, $3  }
0xc2: {  	[dreg:$0x1] =	wrdreg $0xFFFFFFFF  }
0xc3: {  	_ =	task.clear_ibuf [dreg:s7], $0x2FFFF;
	_ =	strace $0x9FFFFFFF  }
0xc4: {  	(tm) =	ssettm $0x7FFFFFFF  }
0xc5: {  	_ =	shalt  }
tec
execute0_lowered:
.L_overlay_start_1:
0x0: {  	(tag) =	ssettag $0x1  }
0x1: {  	s6 =	rddreg [dreg:$0x0]  }
0x2: {  	s9 =	rddreg [dreg:$0x1]  }
0x3: {  	s1 =	srdreg.scid;
	s2 =	rddreg [dreg:$0x2]  }
0x4: {  	s0 =	stileid.u32;
	s3 =	rddreg [dreg:$0x3];
	s4 =	simm.s32 $0x0  }
0x5: {  	s16 =	simm.s32 $0x5000;
	s17 =	simm.s32 $0x2800;
	s18 =	simm.s32 $0x80  }
0x6: {  	s19 =	simm.s32 $0x20;
	s20 =	simm.s32 $0x10;
	s21 =	simm.s32 $0x0  }
0x7: {  	s7 =	sand.u32 $0x1, s1;
	s1 =	rddreg [dreg:$0x4];
	s11 =	smul.u32 $0x500, s0  }
0x8: {  	s30 =	sshll.u32 s0, $0x1;
	[smem:$0x7FF] =	sst s4;
	s13 =	smul.u32 $0x280, s0  }
0x9: {  	s31 =	sshll.u32 s0, $0x6;
	s5 =	sor.u32 s7, s30;
	s8 =	smul.u32 $0x5000, s7  }
0xa: {  	_ =	strace $0x80000047;
	s7 =	ssub.s32 $0x2, s7;
	s5 =	smul.u32 $0x500, s5  }
0xb: {  	s12 =	sshrl.u32 s7, $0x1;
	s14 =	sadd.s32 s13, s2;
	s15 =	sadd.s32 s13, s3  }
0xc: {  	s12 =	ssub.s32 s7, s12;
	s8 =	sadd.s32 s11, s8;
	s7 =	sor.u32 $0x1C01, s31  }
0xd: {  	s13 =	sshrl.u32 s14, $0x3;
	s14 =	simm.s32 $0x1;
	s15 =	sshrl.u32 s15, $0x3  }
0xe: {  	s10 =	sadd.s32 s5, s6;
	s5 =	sadd.s32 $0x15200, s6;
	s11 =	sshrl.u32 s8, $0x3  }
0xf: {  	s6 =	sadd.s32 $0x15000, s6;
	s12 =	smax.u32 s12, $0x1;
	s9 =	sadd.s32 s9, s11  }
0x10: {  	s8 =	sadd.s32 $0x1000, s10;
	s10 =	sadd.s32 $0xB000, s10;
	s11 =	sadd.s32 $0x10, s9  }
.LBB2_1:
0x11: {  	[spmem:s13], [sflag:s7] =	dma.local [hbm:s6], $0x50  }
0x12: {  	_ =	swait.ge [sflag:s14], $0x50  }
0x13: {  	[sflag:s14] =	ssyncset.done $0x0  }
0x14: {  	[sflag:s14] =	ssyncadd.s32 $0xFFFFFFB0  }
0x15: {  	[spmem:s15], [sflag:s7] =	dma.local [hbm:s6], $0x50  }
0x16: {  	_ =	swait.ge [sflag:s14], $0x50  }
0x17: {  	[sflag:s14] =	ssyncset.done $0x0  }
0x18: {  	[sflag:s14] =	ssyncadd.s32 $0xFFFFFFB0  }
0x19: {  	[tilespmem:s16], [sflag:$0x1] =	stream.linear.gather [hbm4b:s5+s4], $0x80, $0x38;
	[tilespmem:$0x5580] =	vst v63  }
0x1a: {  	_ =	swait.ge [sflag:s14], $0x80  }
0x1b: {  	[sflag:s14] =	ssyncset.done $0x0  }
0x1c: {  	[sflag:s14] =	ssyncadd.s32 $0xFFFFFF80  }
0x1d: {  	[tilespmem:s4], [sflag:$0x1] =	stream.linear.gather [hbm4b:s8+s4], $0x2800, $0x38;
	[tilespmem:$0x5580] =	vst v63  }
0x1e: {  	_ =	swait.ge [sflag:s14], $0x2800  }
0x1f: {  	[sflag:s14] =	ssyncset.done $0x0  }
0x20: {  	[sflag:s14] =	ssyncadd.s32 $0xFFFFD800  }
0x21: {  	[tilespmem:s17], [sflag:$0x1] =	stream.linear.gather [hbm4b:s10+s4], $0x2800, $0x38;
	[tilespmem:$0x5580] =	vst v63  }
0x22: {  	_ =	swait.ge [sflag:s14], $0x2800  }
0x23: {  	[sflag:s14] =	ssyncset.done $0x0  }
0x24: {  	[sflag:s14] =	ssyncadd.s32 $0xFFFFD800  }
0x25: {  	s22 =	simm.s32 $0x0;
	[bflag:$0x0] =	sbarrier.arrive $0xFFFF  }
0x26: {  	[spmem:s2] =	stream.indirect.scatter.add.f32 [tilespmem:s16], [sflag:$0x1], $0x1, s22, s18, $0xb8;
	[tilespmem:$0x5580] =	vst v63  }
0x27: {  	_ =	swait.ge [sflag:s14], $0x80  }
0x28: {  	[sflag:s14] =	ssyncset.done $0x0  }
0x29: {  	s31 =	simm.s32 $0x2800;
	[sflag:s14] =	ssyncadd.s32 $0xFFFFFF80  }
0x2a: {  	[spmem:s3] =	stream.indirect.scatter.add.f32 [tilespmem:s16], [sflag:$0x1], $0x1, s31, s18, $0xb8;
	[tilespmem:$0x5580] =	vst v63  }
0x2b: {  	_ =	swait.ge [sflag:s14], $0x80  }
0x2c: {  	s23 =	simm.s32 $0x400;
	s22 =	simm.s32 $0x200;
	[sflag:s14] =	ssyncset.done $0x0  }
.LBB2_2:
0x2d: {  	s24 =	sshra.s32 s22, $0x2  }
0x2e: {  	[sflag:s14] =	ssyncadd.s32 $0xFFFFFF80;
	s22 =	smov.u32 s23;
	s25 =	sadd.s32 $0x200, s23  }
0x2f: {  	[spmem:s2] =	stream.indirect.scatter.add.f32 [tilespmem:s16], [sflag:$0x1], $0x1, s24, s18, $0xb8;
	[tilespmem:$0x5580] =	vst v63  }
0x30: {  	p0 =	sne.s32 s23, $0x9E00;
	_ =	swait.ge [sflag:s14], $0x80  }
.Ltmp0:
0x31: {  	[sflag:s14] =	ssyncset.done $0x0;
	(pc) =	sbr.rel @p0 .LBB2_2-.Ltmp0, $4  }
0x32: {  	s23 =	sadd.s32 $0x2800, s24;
	[sflag:s14] =	ssyncadd.s32 $0xFFFFFF80  }
0x33: {  	[spmem:s3] =	stream.indirect.scatter.add.f32 [tilespmem:s16], [sflag:$0x1], $0x1, s23, s18, $0xb8;
	[tilespmem:$0x5580] =	vst v63  }
0x34: {  	_ =	swait.ge [sflag:s14], $0x80  }
0x35: {  	s23 =	smov.u32 s25;
	[sflag:s14] =	ssyncset.done $0x0  }
0x36: {  	s22 =	sshra.s32 s22, $0x2;
	[sflag:s14] =	ssyncadd.s32 $0xFFFFFF80  }
0x37: {  	[spmem:s2] =	stream.indirect.scatter.add.f32 [tilespmem:s16], [sflag:$0x1], $0x1, s22, s18, $0xb8;
	[tilespmem:$0x5580] =	vst v63  }
0x38: {  	_ =	swait.ge [sflag:s14], $0x80  }
0x39: {  	[sflag:s14] =	ssyncset.done $0x0  }
0x3a: {  	s22 =	sadd.s32 $0x2800, s22;
	[sflag:s14] =	ssyncadd.s32 $0xFFFFFF80  }
0x3b: {  	[spmem:s3] =	stream.indirect.scatter.add.f32 [tilespmem:s16], [sflag:$0x1], $0x1, s22, s18, $0xb8;
	[tilespmem:$0x5580] =	vst v63  }
0x3c: {  	_ =	swait.ge [sflag:s14], $0x80  }
0x3d: {  	[sflag:s14] =	ssyncset.done $0x0  }
0x3e: {  	[sflag:s14] =	ssyncadd.s32 $0xFFFFFF80  }
0x3f: {  	[bflag:$0x0] =	sbarrier.arrive $0xFFFF  }
0x40: {  	[hbm:s9@s19], [sflag:s7] =	dma.strided [spmem:s13@s20], $0x50, s14, $0x10   }
0x41: {  	s21 =	sadd.s32 $0x1, s21;
	_ =	swait.ge [sflag:s14], $0x50  }
0x42: {  	p0 =	sne.s32 s21, s12;
	[sflag:s14] =	ssyncset.done $0x0  }
.Ltmp1:
0x43: {  	[sflag:s14] =	ssyncadd.s32 $0xFFFFFFB0;
	(pc) =	sbr.rel @p0 .LBB2_1-.Ltmp1, $4  }
0x44: {  	[hbm:s11@s19], [sflag:s7] =	dma.strided [spmem:s15@s20], $0x50, s14, $0x10   }
0x45: {  	_ =	swait.ge [sflag:s14], $0x50  }
0x46: {  	[sflag:s14] =	ssyncset.done $0x0  }
0x47: {  	[sflag:s14] =	ssyncadd.s32 $0xFFFFFFB0  }
0x48: {  	_ =	sfence.sel $0x180000  }
0x49: {  	[bflag:$0x0] =	sbarrier.arrive $0xFFFF  }
0x4a: {  	p0 =	sne.s32 s0, $0x0;
	_ =	strace $0x90000047  }
0x4b: {  	s0 =	sadd.s32 @!p0 $0x100000, s1;
	[bflag:$0x2] =	sbarrier.arrive $0xFFFF  }
0x4c: {  	[sflag:s0] =	ssyncadd.tile.s32 @!p0 $0x1;
	_ =	shalt  }
.Lfunc_end2:
_tile_overlayer_lowered:
.L_overlay_start_2:
0x4d: {  	(tag) =	ssettag $0x2  }
0x4e: {  	s0 =	rddreg [dreg:$0x0];
	s2 =	stileid.u32  }
0x4f: {  	s1 =	rddreg [dreg:$0x1];
	p0 =	sne.s32 s2, $0x0  }
0x50: {  	s3 =	rddreg [dreg:$0x2];
	[bflag:$0x3] =	sbarrier.arrive $0xFFFF;
	s2 =	simm.s32 @!p0 $0x1C01  }
0x51: {  	[timem:s3], [sflag:s2] =	dma.local @!p0 [hbm:s0], s1  }
0x52: {  	s0 =	simm.s32 @!p0 $0x1  }
0x53: {  	_ =	swait.ge @!p0 [sflag:s0], s1  }
0x54: {  	s1 =	ssub.s32 @!p0 $0x0, s1;
	[sflag:s0] =	ssyncset.done @!p0 $0x0  }
0x55: {  	[sflag:s0] =	ssyncadd.s32 @!p0 s1  }
0x56: {  	[bflag:$0x3] =	sbarrier.arrive $0xFFFF  }
0x57: {  	_ =	shalt  }

// kernel: kernel.9.cloned.1.call-start
scs
__scs_entry_jumppad:
0x0: {  	(pc) =	sbr.rel $0x88, $3  }
0x1: {  	(tag) =	ssettag $0x0;
	lr =	simm.s32 $0x1  }
0x2: {  	[smem:$0x3F9E] =	sst lr;
	_ =	strace $0xD0000000  }
0x3: {  	_ = 	snop  }
0x4: {  	_ = 	snop  }
0x5: {  	_ = 	snop  }
0x6: {  	_ = 	snop  }
0x7: {  	_ = 	snop  }
__scs_overlays_trampoline_lowered:
0x8: {  	[smem:$0x3FAD] =	sst s0  }
0x9: {  	[smem:$0x3FAE] =	sst s1  }
0xa: {  	[smem:$0x3FAF] =	sst s2  }
0xb: {  	[smem:$0x3FB0] =	sst s3  }
0xc: {  	[smem:$0x3FB1] =	sst s4  }
0xd: {  	[smem:$0x3FB2] =	sst s5  }
0xe: {  	[smem:$0x3FB3] =	sst s6  }
0xf: {  	[smem:$0x3FB4] =	sst s7  }
0x10: {  	[smem:$0x3FB5] =	sst s8  }
0x11: {  	[smem:$0x3FB6] =	sst s9;
	s0 =	simm.s32 @!p0 $0x0  }
0x12: {  	s1 =	sld [smem:$0x3F9C];
	s0 =	simm.s32 @p0 $0x1  }
0x13: {  	[smem:$0x3FB7] =	sst s0;
	s0 =	simm.s32 @!p1 $0x0  }
0x14: {  	s2 =	sld [smem:$0x3F9B];
	s0 =	simm.s32 @p1 $0x1  }
0x15: {  	[smem:$0x3FB8] =	sst s0;
	s0 =	simm.s32 @!p2 $0x0  }
0x16: {  	s3 =	sld [smem:$0x3FDB];
	s0 =	simm.s32 @p2 $0x1  }
0x17: {  	s4 =	simm.s32 $0x1BF5;
	[smem:$0x3FBA] =	sst s0  }
0x18: {  	s0 =	sld [smem:$0x3F9D];
	_ =	swait.ge [sflag:s4], $0x0  }
0x19: {  	s7 =	sld [smem:$0x3F9E]  }
0x1a: {  	s8 =	sadd.s32 $0xFFFFE003, lr  }
0x1b: {  	s9 =	sadd.s32 $0xFFFFFEF7, lr;
	s5 =	simm.s32 $0xFFFFFFFF;
	p2 =	slt.u32 s8, $0xFFFFF086  }
0x1c: {  	p1 =	slt.u32 s9, $0xF7A;
	s5 =	simm.s32 @!p2 $0x0  }
0x1d: {  	s5 =	simm.s32 @p1 $0x1;
	p0 =	seq.s32 s7, s2  }
0x1e: {  	s7 =	smul.u32 @!p0 $0xF7A, s2;
	p2 =	seq.s32 @!p0 s5, $0x0  }
0x1f: {  	s9 =	smul.u32 $0xF7A, s1;
	s8 =	simm.s32 @!p0 $0x1BF5;
	p2 =	por !p2, p0  }
0x20: {  	[sflag:s8] =	ssyncset.s32 @!p0 $0xFFFFF086;
	s6 =	sadd.s32 @!p0 s3, s7;
	s7 =	simm.s32 @!p0 $0x108  }
0x21: {  	s3 =	sadd.s32 s3, s9;
	s6 =	sadd.s32 @!p0 $0x88, s6;
	s7 =	simm.s32 @p2 $0x1082  }
0x22: {  	[simem:s7], [sflag:s8] =	dma.local @!p0 [hbm:s6], $0xF7A  }
0x23: {  	s9 =	sor.u32 $0xD0000000, s2;
	s6 =	simm.s32 $0x108;
	_ =	swait.ge @!p0 [sflag:s8], $0x0  }
0x24: {  	s3 =	sadd.s32 $0x88, s3;
	s6 =	simm.s32 @!p1 $0x1082;
	[sflag:s4] =	ssyncset.s32 $0xFFFFF086  }
0x25: {  	[simem:s6], [sflag:s4] =	dma.local [hbm:s3], $0xF7A  }
0x26: {  	[smem:$0x3F9E] =	sst s1;
	(tag) =	ssettag s2;
	_ =	strace s9  }
0x27: {  	s1 =	sld [smem:$0x3FAE]  }
0x28: {  	s2 =	sld [smem:$0x3FAF]  }
0x29: {  	s4 =	sld [smem:$0x3FB1]  }
0x2a: {  	p0 =	seq.s32 s5, $0x0;
	s5 =	sld [smem:$0x3FB2]  }
0x2b: {  	s6 =	sld [smem:$0x3FB3]  }
0x2c: {  	s7 =	sld [smem:$0x3FB4]  }
0x2d: {  	s3 =	simm.s32 $0x108;
	s8 =	sld [smem:$0x3FB5]  }
0x2e: {  	s3 =	simm.s32 @!p0 $0x1082;
	s9 =	sld [smem:$0x3FB6]  }
0x2f: {  	lr =	sadd.s32 s0, s3;
	s0 =	sld [smem:$0x3FAD]  }
0x30: {  	s3 =	sld [smem:$0x3FB0]  }
0x31: {  	[smem:$0x3FB9] =	sst s10  }
0x32: {  	s10 =	sld [smem:$0x3FB7];
	_ =	sdelay $0x3  }
0x33: {  	p0 =	seq.s32 s10, $0x1;
	s10 =	sld [smem:$0x3FB9];
	_ =	sdelay $0x3  }
0x34: {  	[smem:$0x3FB9] =	sst s10  }
0x35: {  	s10 =	sld [smem:$0x3FB8];
	_ =	sdelay $0x3  }
0x36: {  	p1 =	seq.s32 s10, $0x1;
	s10 =	sld [smem:$0x3FB9];
	_ =	sdelay $0x3  }
0x37: {  	[smem:$0x3FB9] =	sst s10  }
0x38: {  	s10 =	sld [smem:$0x3FBA]  }
0x39: {  	_ = 	snop;
	(pc) =	sbr.ind lr, $3  }
0x3a: {  	_ = 	snop  }
0x3b: {  	_ = 	snop  }
0x3c: {  	p2 =	seq.s32 s10, $0x1;
	s10 =	sld [smem:$0x3FB9]  }
0x3d: {  	_ =	shalt  }
0x3e: {  	_ =	shalt  }
0x3f: {  	_ =	shalt  }
0x40: {  	_ =	shalt  }
0x41: {  	_ =	shalt  }
0x42: {  	_ =	shalt  }
0x43: {  	_ =	shalt  }
0x44: {  	_ =	shalt  }
0x45: {  	_ =	shalt  }
0x46: {  	_ =	shalt  }
0x47: {  	_ =	shalt  }
0x48: {  	_ =	shalt  }
0x49: {  	_ =	shalt  }
0x4a: {  	_ =	shalt  }
0x4b: {  	_ =	shalt  }
0x4c: {  	_ =	shalt  }
0x4d: {  	_ =	shalt  }
0x4e: {  	_ =	shalt  }
0x4f: {  	_ =	shalt  }
0x50: {  	_ =	shalt  }
0x51: {  	_ =	shalt  }
0x52: {  	_ =	shalt  }
0x53: {  	_ =	shalt  }
0x54: {  	_ =	shalt  }
0x55: {  	_ =	shalt  }
0x56: {  	_ =	shalt  }
0x57: {  	_ =	shalt  }
0x58: {  	_ =	shalt  }
0x59: {  	_ =	shalt  }
0x5a: {  	_ =	shalt  }
0x5b: {  	_ =	shalt  }
0x5c: {  	_ =	shalt  }
0x5d: {  	_ =	shalt  }
0x5e: {  	_ =	shalt  }
0x5f: {  	_ =	shalt  }
0x60: {  	_ =	shalt  }
0x61: {  	_ =	shalt  }
0x62: {  	_ =	shalt  }
0x63: {  	_ =	shalt  }
0x64: {  	_ =	shalt  }
0x65: {  	_ =	shalt  }
0x66: {  	_ =	shalt  }
0x67: {  	_ =	shalt  }
0x68: {  	_ =	shalt  }
0x69: {  	_ =	shalt  }
0x6a: {  	_ =	shalt  }
0x6b: {  	_ =	shalt  }
0x6c: {  	_ =	shalt  }
0x6d: {  	_ =	shalt  }
0x6e: {  	_ =	shalt  }
0x6f: {  	_ =	shalt  }
0x70: {  	_ =	shalt  }
0x71: {  	_ =	shalt  }
0x72: {  	_ =	shalt  }
0x73: {  	_ =	shalt  }
0x74: {  	_ =	shalt  }
0x75: {  	_ =	shalt  }
0x76: {  	_ =	shalt  }
0x77: {  	_ =	shalt  }
0x78: {  	_ =	shalt  }
0x79: {  	_ =	shalt  }
0x7a: {  	_ =	shalt  }
0x7b: {  	_ =	shalt  }
0x7c: {  	_ =	shalt  }
0x7d: {  	_ =	shalt  }
0x7e: {  	_ =	shalt  }
0x7f: {  	_ =	shalt  }
0x80: {  	_ =	shalt  }
0x81: {  	_ =	shalt  }
0x82: {  	_ =	shalt  }
0x83: {  	_ =	shalt  }
0x84: {  	_ =	shalt  }
0x85: {  	_ =	shalt  }
0x86: {  	_ =	shalt  }
0x87: {  	_ =	shalt  }
.Lfunc_end0:
.L_simem_size_0:
called_computation.1_lowered:
.L_overlay_start_0:
0x88: {  	s2 =	sld [smem:$0x3FD9]  }
0x89: {  	s3 =	sld [smem:$0x3FFE];
	_ =	sdelay $0x1  }
0x8a: {  	s1 =	srdreg.scid  }
0x8b: {  	s0 =	sand.u32 $0x1, s1  }
0x8c: {  	s17 =	sshll.u32 s0, $0xA;
	s2 =	sadd.s32 s3, s2  }
0x8d: {  	s2 =	sadd.s32 s2, s17  }
0x8e: {  	[smem:$0x3FC5] =	sst s2  }
0x8f: {  	_ = 	snop  }
0x90: {  	s2 =	sld [smem:$0x3FD0];
	(tm) =	ssettm $0x1  }
0x91: {  	s18 =	sld [smem:$0x3FFB];
	_ =	sdelay $0x3  }
0x92: {  	_ =	strace s18  }
0x93: {  	s3 =	sld [smem:$0x3FFC];
	_ =	sdelay $0x3  }
0x94: {  	_ =	strace s3  }
0x95: {  	s3 =	sld [smem:$0x3FFD];
	_ =	sdelay $0x3  }
0x96: {  	_ =	strace s3  }
0x97: {  	_ =	strace $0x8FFFFFFF  }
0x98: {  	s19 =	sld [smem:$0x3FDB];
	_ =	sdelay $0x1  }
0x99: {  	s4 =	simm.s32 $_scs_section_size  }
0x9a: {  	s5 =	simm.s32 $_size__tile_overlayer_lowered;
	s6 =	simm.s32 $_tile_overlayer_lowered  }
0x9b: {  	s22 =	simm.s32 $0x1BFF;
	s21 =	sshll.u32 s6, $0x1;
	s3 =	sadd.s32 s4, s19  }
0x9c: {  	s7 =	simm.s32 $0x0;
	s20 =	sshll.u32 s5, $0x1;
	s5 =	sadd.s32 s21, s3  }
0x9d: {  	[timem:s7], [sflag:s22] =	dma.local [hbm:s5], s20  }
0x9e: {  	_ =	swait.ge [sflag:s22], s20  }
0x9f: {  	s4 =	ssub.s32 $0x0, s20;
	[sflag:s22] =	ssyncset.done $0x0  }
0xa0: {  	[sflag:s22] =	ssyncadd.s32 s4;
	_ =	sdelay $0x1  }
0xa1: {  	s23 =	simm.s32 $0x1B8B  }
0xa2: {  	_ =	swait.ge [sflag:s23], $0x1  }
0xa3: {  	[sflag:s23] =	ssyncset.done $0x0  }
0xa4: {  	s25 =	simm.s32 $0x1B8E;
	s24 =	sld [smem:$0x3FFE];
	[sflag:s23] =	ssyncadd.s32 $0xFFFFFFFF  }
0xa5: {  	s26 =	simm.s32 $execute0_lowered;
	[smem:$0x3FD2] =	sst s25  }
0xa6: {  	s5 =	sshll.u32 s26, $0x1;
	_ =	strace $0x80000049;
	[dreg:$0x1] =	wrdreg $0xFFFFFFFF  }
0xa7: {  	s28 =	simm.s32 $_size_execute0_lowered;
	s3 =	sadd.s32 s3, s5;
	[dreg:$0x0] =	wrdreg $0x0  }
0xa8: {  	s5 =	sshll.u32 s28, $0x1;
	[dreg:$0x2] =	wrdreg s3  }
0xa9: {  	[dreg:$0x3] =	wrdreg s5  }
0xaa: {  	[dreg:$0x4] =	wrdreg $0xC0  }
0xab: {  	_ =	task [dreg:s7], $0x5FFFF  }
0xac: {  	[dreg:$0x1] =	wrdreg $0xFFFFFFFF  }
0xad: {  	[dreg:$0x0] =	wrdreg $0x60  }
0xae: {  	[dreg:$0x2] =	wrdreg s2  }
0xaf: {  	[dreg:$0x3] =	wrdreg s24  }
0xb0: {  	[dreg:$0x4] =	wrdreg $0xB0000  }
0xb1: {  	[dreg:$0x5] =	wrdreg $0x9  }
0xb2: {  	_ =	task.clear_ibuf [dreg:s7], $0x6FFFF;
	_ =	strace $0x90000049  }
0xb3: {  	s29 =	simm.s32 $0x9;
	_ =	strace $0x8000004B  }
0xb4: {  	_ =	swait.ge [sflag:s29], $0x1  }
0xb5: {  	[sflag:s29] =	ssyncadd.s32 $0xFFFFFFFF  }
0xb6: {  	_ =	strace $0x9000004B  }
0xb7: {  	_ =	sfence  }
0xb8: {  	s30 =	sld [smem:$0x0];
	_ =	sdelay $0x2  }
0xb9: {  	s31 =	sshll.u32 s1, $0xD;
	s1 =	sshrl.u32 s1, $0x2  }
0xba: {  	s3 =	sand.u32 $0x4000, s31;
	s1 =	sadd.s32 s1, s30  }
0xbb: {  	s0 =	sor.u32 s3, s0;
	s1 =	sshll.u32 s1, $0x11  }
0xbc: {  	s0 =	sor.u32 s1, s0  }
0xbd: {  	s0 =	sadd.s32 $0x8F2B, s0  }
0xbe: {  	[sflag:s0] =	ssyncadd.remote.s32 $0x1  }
0xbf: {  	_ =	sfence.sel $0xFFFF  }
0xc0: {  	[dreg:$0x0] =	wrdreg $0xFFFFFFFF;
	(pc) =	sbr.abs _section_cstart, $3  }
0xc1: {  	[dreg:$0x1] =	wrdreg $0xFFFFFFFF  }
0xc2: {  	_ =	task.clear_ibuf [dreg:s7], $0x2FFFF;
	_ =	strace $0x9FFFFFFF  }
0xc3: {  	(tm) =	ssettm $0x7FFFFFFF  }
tec
execute0_lowered:
.L_overlay_start_1:
0x0: {  	(tag) =	ssettag $0x1  }
0x1: {  	s1 =	rddreg [dreg:$0x0]  }
0x2: {  	s2 =	srdreg.scid;
	s7 =	rddreg [dreg:$0x1]  }
0x3: {  	s0 =	stileid.u32;
	s3 =	rddreg [dreg:$0x2];
	s4 =	simm.s32 $0x0  }
0x4: {  	s18 =	simm.s32 $0x80;
	s20 =	simm.s32 $0x2;
	s23 =	simm.s32 $0x0  }
0x5: {  	s6 =	sand.u32 $0x1, s2;
	s25 =	sshll.u32 s0, $0x1;
	s9 =	smul.u32 $0x13C00, s0  }
0x6: {  	[smem:$0x7FF] =	sst s4;
	s5 =	sadd.s32 $0x1000, s7;
	s13 =	smul.u32 $0x4F000, s0  }
0x7: {  	s28 =	sadd.s32 $0x15000, s7;
	s31 =	sshll.u32 s0, $0x6;
	s2 =	sor.u32 s6, s25  }
0x8: {  	s8 =	smul.u32 $0x13C000, s6;
	_ =	strace $0x8000004A;
	s26 =	ssub.s32 $0x2, s6  }
0x9: {  	[dreg:$0x4] =	wrdreg s28;
	s11 =	smul.u32 $0x2800, s2;
	s29 =	sshrl.u32 s26, $0x1  }
0xa: {  	s30 =	sshrl.u32 s13, $0x2;
	s8 =	sadd.s32 s9, s8;
	s15 =	ssub.s32 s26, s29  }
0xb: {  	s16 =	sadd.s32 s30, s3;
	s10 =	sshrl.u32 s11, $0x3;
	s8 =	sshrl.u32 s8, $0x3  }
0xc: {  	s11 =	sor.u32 $0x400, s11;
	s13 =	smax.u32 s15, $0x1;
	s15 =	simm.s32 $0x5  }
0xd: {  	s12 =	sadd.s32 s10, s7;
	s14 =	sadd.s32 s8, s7;
	s8 =	sadd.s32 s5, s10  }
0xe: {  	s7 =	sor.u32 $0x1C05, s31;
	s9 =	sadd.s32 $0xB000, s12;
	s10 =	sadd.s32 $0x80, s8  }
0xf: {  	s12 =	sadd.s32 $0x17800, s14;
	s14 =	sshrl.u32 s16, $0x3;
	s16 =	simm.s32 $0x3  }
.LBB2_1:
0x10: {  	s0 =	rddreg [dreg:$0x4]  }
0x11: {  	[spmem:s14], [sflag:s7] =	dma.local [hbm:s0], $0x2780  }
0x12: {  	_ =	swait.ge [sflag:s15], $0x2780  }
0x13: {  	[sflag:s15] =	ssyncset.done $0x0  }
0x14: {  	s24 =	simm.s32 $0x800;
	[sflag:s15] =	ssyncadd.s32 $0xFFFFD880  }
0x15: {  	[tilespmem:s24], [sflag:$0x5] =	stream.linear.gather [hbm4b:s9+s4], $0x2800, $0x38;
	[tilespmem:$0x1EC00] =	vst v63  }
0x16: {  	_ =	swait.ge [sflag:s15], $0x2800  }
0x17: {  	s19 =	simm.s32 $0x400;
	s21 =	simm.s32 $0x3000;
	[sflag:s15] =	ssyncset.done $0x0  }
0x18: {  	s25 =	simm.s32 $0x1;
	s28 =	simm.s32 $0x0;
	[sflag:s15] =	ssyncadd.s32 $0xFFFFD800  }
0x19: {  	[tilespmem:s4], [sflag:$0x3] =	stream.linear.gather [hbm4b:s8+s4], $0x400, $0x38;
	[tilespmem:$0x1EC00] =	vst v63  }
0x1a: {  	s22 =	simm.s32 $0x0;
	s26 =	sand.u32 $0x7, s25;
	[bflag:$0x0] =	sbarrier.arrive $0xFFFF  }
0x1b: {  	s28 =	sand.u32 $0x1, s28;
	p0 =	sne.s32 s26, $0x0;
	_ =	swait.ge [sflag:s16], $0x400  }
0x1c: {  	s25 =	sand.u32 $0x1, s25;
	p1 =	por @!p0 $0x0, $0x0;
	[sflag:s16] =	ssyncset.done $0x0  }
0x1d: {  	s26 =	sshll.u32 s26, $0x7;
	p1 =	por p1, p0;
	[sflag:s16] =	ssyncadd.s32 $0xFFFFFC00  }
0x1e: {  	[tilespmem:s19], [sflag:$0x4] =	stream.linear.gather [hbm4b:s10+s4], $0x400, $0x38;
	[tilespmem:$0x1EC00] =	vst v63  }
0x1f: {  	s29 =	sadd.s32 @!p0 $0x3, s28;
	s30 =	sxor.u32 @!p1 $0x1, s28;
	s31 =	sadd.s32 @!p1 $0x0, s11  }
0x20: {  	[tilespmem:s21], [sflag:$0x1] =	stream.indirect.gather [hbm4b:s1+s18], $0x80, s4, s18, $0xb8;
	[tilespmem:$0x1EC00] =	vst v63  }
0x21: {  	s28 =	sshll.u32 s28, $0xA;
	s2 =	sshll.u32 @!p1 s30, $0xA;
	_ =	swait.ge @!p0 [sflag:s29], $0x400  }
0x22: {  	s30 =	sadd.s32 @!p1 $0x3, s30;
	s31 =	sshrl.u32 @!p1 s31, $0x3;
	[sflag:s29] =	ssyncset.done @!p0 $0x0  }
0x23: {  	[sflag:s29] =	ssyncadd.s32 @!p0 $0xFFFFFC00;
	s29 =	sadd.s32 @!p1 s5, s31;
	s31 =	simm.s32 @!p1 $0x0  }
0x24: {  	[tilespmem:s2], [sflag:s30] =	stream.linear.gather @!p1 [hbm4b:s29+s31], $0x400, $0x38;
	[tilespmem:$0x1EC00] =	vst v63  }
0x25: {  	s26 =	sor.u32 s26, s28;
	s2 =	sand.u32 $0x1, s22;
	s29 =	sshll.u32 s25, $0xE  }
0x26: {  	s25 =	sadd.s32 $0x1, s25;
	s30 =	sadd.s32 $0x1, s2;
	s29 =	sor.u32 $0x3000, s29  }
0x27: {  	[tilespmem:s29], [sflag:s25] =	stream.indirect.gather [hbm4b:s1+s18], $0x80, s26, s18, $0xb8;
	[tilespmem:$0x1EC00] =	vst v63  }
0x28: {  	s28 =	simm.s32 $0x3;
	_ =	swait.ge [sflag:s30], $0x4000  }
0x29: {  	s31 =	simm.s32 $0x1;
	s2 =	sshll.u32 s2, $0xE;
	[sflag:s30] =	ssyncset.done $0x0  }
0x2a: {  	s26 =	simm.s32 $0x2;
	s2 =	sor.u32 $0x3000, s2;
	[sflag:s30] =	ssyncadd.s32 $0xFFFFC000  }
0x2b: {  	[spmem:s3] =	stream.indirect.scatter.add.f32 [tilespmem:s2], [sflag:$0x5], $0x80, s24, s18, $0xb8;
	[tilespmem:$0x1EC00] =	vst v63  }
0x2c: {  	s29 =	simm.s32 $0x0;
	s25 =	sand.u32 $0x1, s26;
	_ =	swait.ge [sflag:s15], $0x4000  }
0x2d: {  	s30 =	sand.u32 $0x1, s29;
	s24 =	simm.s32 $0x880;
	[sflag:s15] =	ssyncset.done $0x0  }
.LBB2_2:
0x2e: {  	s2 =	sshrl.u32 s28, $0x3  }
0x2f: {  	s0 =	sand.u32 $0x7, s26;
	s17 =	sshll.u32 s30, $0xA;
	s26 =	smov.u32 s28  }
0x30: {  	p0 =	sne.s32 s0, $0x0;
	s0 =	sshll.u32 s0, $0x7;
	[sflag:s15] =	ssyncadd.s32 $0xFFFFC000  }
0x31: {  	s19 =	sand.u32 $0x1, s31;
	s21 =	sadd.s32 @!p0 $0x3, s30;
	p1 =	sgt.u32 @!p0 s31, $0x46  }
0x32: {  	s28 =	sadd.s32 $0x1, s28;
	s31 =	sadd.s32 $0x1, s19;
	p1 =	por p1, p0  }
0x33: {  	s22 =	sshll.u32 s25, $0xE;
	s29 =	sshll.u32 @!p1 s29, $0xA;
	s30 =	sxor.u32 @!p1 $0x1, s30  }
0x34: {  	_ =	swait.ge @!p0 [sflag:s21], $0x400;
	s29 =	sadd.s32 @!p1 s29, s11;
	s6 =	sshll.u32 @!p1 s30, $0xA  }
0x35: {  	s30 =	sadd.s32 @!p1 $0x3, s30;
	[sflag:s21] =	ssyncset.done @!p0 $0x0;
	s29 =	sshrl.u32 @!p1 s29, $0x3  }
0x36: {  	[sflag:s21] =	ssyncadd.s32 @!p0 $0xFFFFFC00;
	s21 =	sadd.s32 @!p1 s5, s29;
	s29 =	simm.s32 @!p1 $0x0  }
0x37: {  	[tilespmem:s6], [sflag:s30] =	stream.linear.gather @!p1 [hbm4b:s21+s29], $0x400, $0x38;
	[tilespmem:$0x1EC00] =	vst v63  }
0x38: {  	s0 =	sor.u32 s0, s17;
	s17 =	sadd.s32 $0x1, s25;
	s6 =	sor.u32 $0x3000, s22  }
0x39: {  	[tilespmem:s6], [sflag:s17] =	stream.indirect.gather [hbm4b:s1+s18], $0x80, s0, s18, $0xb8;
	[tilespmem:$0x1EC00] =	vst v63  }
0x3a: {  	p0 =	sne.s32 s28, $0x50;
	s0 =	sshll.u32 s19, $0xE;
	_ =	swait.ge [sflag:s31], $0x4000  }
.Ltmp0:
0x3b: {  	s29 =	smov.u32 s2;
	[sflag:s31] =	ssyncset.done $0x0;
	(pc) =	sbr.rel @p0 .LBB2_2-.Ltmp0, $4  }
0x3c: {  	s0 =	sor.u32 $0x3000, s0;
	[sflag:s31] =	ssyncadd.s32 $0xFFFFC000  }
0x3d: {  	[spmem:s3] =	stream.indirect.scatter.add.f32 [tilespmem:s0], [sflag:$0x5], $0x80, s24, s18, $0xb8;
	[tilespmem:$0x1EC00] =	vst v63  }
0x3e: {  	s25 =	sand.u32 $0x1, s26;
	s24 =	sadd.s32 $0x80, s24;
	_ =	swait.ge [sflag:s15], $0x4000  }
0x3f: {  	s30 =	sand.u32 $0x1, s29;
	s31 =	sadd.s32 $0xFFFFFFFF, s26;
	[sflag:s15] =	ssyncset.done $0x0  }
0x40: {  	s0 =	sand.u32 $0x7, s26  }
0x41: {  	s2 =	sshll.u32 s30, $0xA;
	[sflag:s15] =	ssyncadd.s32 $0xFFFFC000;
	p0 =	sne.s32 s0, $0x0  }
0x42: {  	s6 =	sand.u32 $0x1, s31;
	s0 =	sshll.u32 s0, $0x7;
	p1 =	sgt.u32 @!p0 s31, $0x46  }
0x43: {  	s19 =	sadd.s32 $0x1, s6;
	s17 =	sadd.s32 @!p0 $0x3, s30;
	p1 =	por p1, p0  }
0x44: {  	s31 =	sshll.u32 s25, $0xE;
	_ =	swait.ge @!p0 [sflag:s17], $0x400;
	s21 =	sshll.u32 @!p1 s29, $0xA  }
0x45: {  	s22 =	sxor.u32 @!p1 $0x1, s30;
	[sflag:s17] =	ssyncset.done @!p0 $0x0;
	s21 =	sadd.s32 @!p1 s21, s11  }
0x46: {  	s28 =	sshll.u32 @!p1 s22, $0xA;
	s22 =	sadd.s32 @!p1 $0x3, s22;
	s21 =	sshrl.u32 @!p1 s21, $0x3  }
0x47: {  	[sflag:s17] =	ssyncadd.s32 @!p0 $0xFFFFFC00;
	s17 =	sadd.s32 @!p1 s5, s21;
	s21 =	simm.s32 @!p1 $0x0  }
0x48: {  	[tilespmem:s28], [sflag:s22] =	stream.linear.gather @!p1 [hbm4b:s17+s21], $0x400, $0x38;
	[tilespmem:$0x1EC00] =	vst v63  }
0x49: {  	s0 =	sor.u32 s0, s2;
	s26 =	sor.u32 $0x3000, s31;
	s28 =	sadd.s32 $0x1, s25  }
0x4a: {  	[tilespmem:s26], [sflag:s28] =	stream.indirect.gather [hbm4b:s1+s18], $0x80, s0, s18, $0xb8;
	[tilespmem:$0x1EC00] =	vst v63  }
0x4b: {  	_ =	swait.ge [sflag:s19], $0x4000  }
0x4c: {  	s29 =	sshll.u32 s6, $0xE;
	[sflag:s19] =	ssyncset.done $0x0  }
0x4d: {  	s0 =	sor.u32 $0x3000, s29;
	[sflag:s19] =	ssyncadd.s32 $0xFFFFC000  }
0x4e: {  	[spmem:s3] =	stream.indirect.scatter.add.f32 [tilespmem:s0], [sflag:$0x5], $0x80, s24, s18, $0xb8;
	[tilespmem:$0x1EC00] =	vst v63  }
0x4f: {  	_ =	swait.ge [sflag:s15], $0x4000  }
0x50: {  	[sflag:s15] =	ssyncset.done $0x0  }
0x51: {  	[sflag:s15] =	ssyncadd.s32 $0xFFFFC000  }
0x52: {  	_ =	swait.ge [sflag:s20], $0x4000  }
0x53: {  	[sflag:s20] =	ssyncset.done $0x0  }
0x54: {  	s31 =	simm.s32 $0x7000;
	s30 =	simm.s32 $0x2F80;
	[sflag:s20] =	ssyncadd.s32 $0xFFFFC000  }
0x55: {  	[spmem:s3] =	stream.indirect.scatter.add.f32 [tilespmem:s31], [sflag:$0x5], $0x80, s30, s18, $0xb8;
	[tilespmem:$0x1EC00] =	vst v63  }
0x56: {  	_ =	swait.ge [sflag:s15], $0x4000  }
0x57: {  	s23 =	sadd.s32 $0x1, s23;
	[sflag:s15] =	ssyncset.done $0x0  }
0x58: {  	p0 =	sne.s32 s23, s13;
	[sflag:s15] =	ssyncadd.s32 $0xFFFFC000  }
.Ltmp1:
0x59: {  	[bflag:$0x0] =	sbarrier.arrive $0xFFFF;
	(pc) =	sbr.rel @p0 .LBB2_1-.Ltmp1, $4  }
0x5a: {  	[hbm:s12], [sflag:s7] =	dma.local [spmem:s14], $0x2780  }
0x5b: {  	_ =	swait.ge [sflag:s15], $0x2780  }
0x5c: {  	[sflag:s15] =	ssyncset.done $0x0  }
0x5d: {  	[sflag:s15] =	ssyncadd.s32 $0xFFFFD880  }
0x5e: {  	_ =	sfence.sel $0x180000  }
0x5f: {  	[bflag:$0x0] =	sbarrier.arrive $0xFFFF  }
0x60: {  	_ =	strace $0x9000004A  }
0x61: {  	s0 =	stileid.u32;
	[bflag:$0x2] =	sbarrier.arrive $0xFFFF  }
0x62: {  	p0 =	sne.s32 s0, $0x0;
	s0 =	rddreg [dreg:$0x3]  }
0x63: {  	s0 =	sadd.s32 @!p0 $0x100000, s0  }
0x64: {  	[sflag:s0] =	ssyncadd.tile.s32 @!p0 $0x1;
	_ =	shalt  }
.Lfunc_end2:
_tile_overlayer_lowered:
.L_overlay_start_2:
0x65: {  	(tag) =	ssettag $0x2  }
0x66: {  	s0 =	rddreg [dreg:$0x0];
	s2 =	stileid.u32  }
0x67: {  	s1 =	rddreg [dreg:$0x1];
	p0 =	sne.s32 s2, $0x0  }
0x68: {  	s3 =	rddreg [dreg:$0x2];
	[bflag:$0x3] =	sbarrier.arrive $0xFFFF;
	s2 =	simm.s32 @!p0 $0x1C05  }
0x69: {  	[timem:s3], [sflag:s2] =	dma.local @!p0 [hbm:s0], s1  }
0x6a: {  	s0 =	simm.s32 @!p0 $0x5  }
0x6b: {  	_ =	swait.ge @!p0 [sflag:s0], s1  }
0x6c: {  	s1 =	ssub.s32 @!p0 $0x0, s1;
	[sflag:s0] =	ssyncset.done @!p0 $0x0  }
0x6d: {  	[sflag:s0] =	ssyncadd.s32 @!p0 s1  }
0x6e: {  	[bflag:$0x3] =	sbarrier.arrive $0xFFFF  }
0x6f: {  	_ =	shalt  }

</sc_bundles>
